<compile_context>
chip_gen: v7x
topology: tpu7x:2x2x1
jax: 0.10.2.dev20260603
libtpu: 0.0.44.dev20260713+nightly
codegen_flags: <defaults>
</compile_context>

<pallas_src>
import functools

import jax
import jax.numpy as jnp
from jax import lax
from jax.experimental import pallas as pl
from jax.experimental.pallas import tpu as pltpu, tpu_sc as plsc

_T = 64
_P = _T - 1
_D = 64

_mesh = plsc.ScalarSubcoreMesh(axis_name="c", num_cores=1)


@functools.partial(
    pl.kernel,
    out_type=jax.ShapeDtypeStruct((_P, _D), jnp.float32),
    mesh=_mesh,
    compiler_params=pltpu.CompilerParams(use_tc_tiling_on_sc=False),
    scratch_types=[
        pltpu.SMEM((_T,), jnp.int32),
        pltpu.SemaphoreType.DMA,
    ],
)
def _sc_embed(base_hbm, table_hbm, out_hbm, base_s, sem):
    @pl.when(lax.axis_index("c") == 0)
    def _():
        pltpu.sync_copy(base_hbm, base_s)
        for i in range(_P):
            d = base_s[i + 1] - base_s[i]
            pltpu.async_copy(table_hbm.at[d], out_hbm.at[i], sem)
        pltpu.make_async_copy(table_hbm.at[pl.ds(0, _P)], out_hbm, sem).wait()


def kernel(frame_index, embedding_table):
    base = frame_index.reshape(_T)
    rows = _sc_embed(base, embedding_table)
    return rows.reshape(_P, 1, 1, _D)

# --- scband reference (transcript-rebuilt; emitter-appended) ---
"""Pipeline reference for scband-frame-distance-embedding-77764677861778 (READ-ONLY COPY).

The authoritative reference and input builder live on the scoring server;
editing this copy changes nothing except your own understanding.
"""

import jax, jax.numpy as jnp
import numpy as np

INPUT_DIM = 1000
OUTPUT_DIM = 64
FRAME_PREV_IDX = np.array([[i] for i in range(63)], dtype=np.int32)
FRAME_NEXT_IDX = np.array([[i + 1] for i in range(63)], dtype=np.int32)


def setup_inputs(seed: int = 0) -> dict:
    key = jax.random.key(seed)
    k1, k2 = jax.random.split(key)
    # sorted_randint: frame timestamps must be nondecreasing so distances are >= 0 and < INPUT_DIM
    fi = jax.random.randint(k1, (64, 1, 1), 0, 1000)
    fi = jnp.sort(fi.reshape(-1)).reshape(64, 1, 1)
    # learned parameter: the distance embedding table (input_dim x output_dim)
    table = jax.random.normal(k2, (INPUT_DIM, OUTPUT_DIM), dtype=jnp.float32) * 0.05
    return {"frame_index": fi, "embedding_table": table}


def reference(frame_index, embedding_table):
    prev = jnp.asarray(FRAME_PREV_IDX)  # [P, 1]
    nxt = jnp.asarray(FRAME_NEXT_IDX)   # [P, 1]
    base = frame_index[:, 0, 0]          # [T]
    # gather along axis -1 of the 1-D timestamp vector with 2-D index lists -> [P, 1]
    frame_distance = (jnp.take(base, nxt, axis=0) - jnp.take(base, prev, axis=0)).astype(jnp.int32)
    # embedding lookup -> [P, 1, D]
    emb = jnp.take(embedding_table, frame_distance, axis=0)
    # transpose perm=[1,0,2] -> [1, P, D]
    emb = jnp.transpose(emb, (1, 0, 2))
    # reshape to [-1, 1, 1, D] -> [P, 1, 1, D]
    emb = emb.reshape(-1, 1, 1, OUTPUT_DIM)
    return emb

if __name__ == "__main__":
    import jax
    _d = setup_inputs()
    print(jax.jit(kernel)(*tuple(_d.values())))

</pallas_src>

<mosaic_0001>
#map = affine_map<(d0) -> (0)>
#map1 = affine_map<(d0) -> (0, 0)>
module attributes {stable_mosaic.version = 14 : i64} {
  func.func @_sc_embed(%arg0: i32, %arg1: memref<64xi32, #tpu.memory_space<hbm>>, %arg2: memref<1000x64xf32, #tpu.memory_space<hbm>>, %arg3: memref<63x64xf32, #tpu.memory_space<hbm>>, %arg4: memref<64xi32, #tpu.memory_space<smem>>, %arg5: memref<!tpu.dma_semaphore, #tpu.memory_space<semaphore_mem>>) attributes {dimension_semantics = [#tpu.dimension_semantics<core_parallel>], iteration_bounds = array<i64: 1>, scalar_prefetch = 0 : i64, scratch_operands = 2 : i64, tpu.core_type = #tpu.core_type<sc_scalar_subcore>, window_params = [{transform_indices = #map}, {transform_indices = #map1}, {transform_indices = #map1}]} {
    %eq3A = arith.constant 0 : i32
    %eq3A_0 = arith.cmpi eq, %arg0, %eq3A : i32
    %convert_element_type3A = arith.extui %eq3A_0 : i1 to i32
    %cond3A = arith.constant 0 : i32
    %cond3A_1 = arith.cmpi ne, %convert_element_type3A, %cond3A : i32
    scf.if %cond3A_1 {
      "tpu.region"() ({
        %run_scoped3A = tpu.sem_alloc : memref<!tpu.dma_semaphore, #tpu.memory_space<semaphore_mem>>
        tpu.enqueue_dma source(%arg1 : memref<64xi32, #tpu.memory_space<hbm>>) target(%arg4 : memref<64xi32, #tpu.memory_space<smem>>) target_semaphore(%run_scoped3A : memref<!tpu.dma_semaphore, #tpu.memory_space<semaphore_mem>>)
        tpu.wait_dma2 semaphore(%run_scoped3A : memref<!tpu.dma_semaphore, #tpu.memory_space<semaphore_mem>>) src(%arg1 : memref<64xi32, #tpu.memory_space<hbm>>) dst(%arg4 : memref<64xi32, #tpu.memory_space<smem>>)
        tpu.yield
      }) : () -> ()
      %get3A = arith.constant 1 : i32
      %get3A_2 = arith.index_cast %get3A : i32 to index
      %get3A_3 = memref.load %arg4[%get3A_2] : memref<64xi32, #tpu.memory_space<smem>>
      %get3A_4 = arith.constant 0 : i32
      %get3A_5 = arith.index_cast %get3A_4 : i32 to index
      %get3A_6 = memref.load %arg4[%get3A_5] : memref<64xi32, #tpu.memory_space<smem>>
      %sub3A = arith.subi %get3A_3, %get3A_6 : i32
      %dma_start3A = arith.constant 0 : i32
      %dma_start3A_7 = arith.constant 0 : i32
      %dma_start3A_8 = tpu.memref_slice %arg3[%dma_start3A, %dma_start3A_7] : memref<63x64xf32, #tpu.memory_space<hbm>> -> memref<1x64xf32, #tpu.memory_space<hbm>>
      %dma_start3A_9 = tpu.memref_squeeze %dma_start3A_8 : memref<1x64xf32, #tpu.memory_space<hbm>> -> memref<64xf32, #tpu.memory_space<hbm>>
      %dma_start3A_10 = arith.constant 0 : i32
      %dma_start3A_11 = tpu.memref_slice %arg2[%sub3A, %dma_start3A_10] : memref<1000x64xf32, #tpu.memory_space<hbm>> -> memref<1x64xf32, #tpu.memory_space<hbm>>
      %dma_start3A_12 = tpu.memref_squeeze %dma_start3A_11 : memref<1x64xf32, #tpu.memory_space<hbm>> -> memref<64xf32, #tpu.memory_space<hbm>>
      tpu.enqueue_dma source(%dma_start3A_12 : memref<64xf32, #tpu.memory_space<hbm>>) target(%dma_start3A_9 : memref<64xf32, #tpu.memory_space<hbm>>) target_semaphore(%arg5 : memref<!tpu.dma_semaphore, #tpu.memory_space<semaphore_mem>>)
      %get3A_13 = arith.constant 2 : i32
      %get3A_14 = arith.index_cast %get3A_13 : i32 to index
      %get3A_15 = memref.load %arg4[%get3A_14] : memref<64xi32, #tpu.memory_space<smem>>
      %get3A_16 = arith.constant 1 : i32
      %get3A_17 = arith.index_cast %get3A_16 : i32 to index
      %get3A_18 = memref.load %arg4[%get3A_17] : memref<64xi32, #tpu.memory_space<smem>>
      %sub3A_19 = arith.subi %get3A_15, %get3A_18 : i32
      %dma_start3A_20 = arith.constant 1 : i32
      %dma_start3A_21 = arith.constant 0 : i32
      %dma_start3A_22 = tpu.memref_slice %arg3[%dma_start3A_20, %dma_start3A_21] : memref<63x64xf32, #tpu.memory_space<hbm>> -> memref<1x64xf32, #tpu.memory_space<hbm>>
      %dma_start3A_23 = tpu.memref_squeeze %dma_start3A_22 : memref<1x64xf32, #tpu.memory_space<hbm>> -> memref<64xf32, #tpu.memory_space<hbm>>
      %dma_start3A_24 = arith.constant 0 : i32
      %dma_start3A_25 = tpu.memref_slice %arg2[%sub3A_19, %dma_start3A_24] : memref<1000x64xf32, #tpu.memory_space<hbm>> -> memref<1x64xf32, #tpu.memory_space<hbm>>
      %dma_start3A_26 = tpu.memref_squeeze %dma_start3A_25 : memref<1x64xf32, #tpu.memory_space<hbm>> -> memref<64xf32, #tpu.memory_space<hbm>>
      tpu.enqueue_dma source(%dma_start3A_26 : memref<64xf32, #tpu.memory_space<hbm>>) target(%dma_start3A_23 : memref<64xf32, #tpu.memory_space<hbm>>) target_semaphore(%arg5 : memref<!tpu.dma_semaphore, #tpu.memory_space<semaphore_mem>>)
      %get3A_27 = arith.constant 3 : i32
      %get3A_28 = arith.index_cast %get3A_27 : i32 to index
      %get3A_29 = memref.load %arg4[%get3A_28] : memref<64xi32, #tpu.memory_space<smem>>
      %get3A_30 = arith.constant 2 : i32
      %get3A_31 = arith.index_cast %get3A_30 : i32 to index
      %get3A_32 = memref.load %arg4[%get3A_31] : memref<64xi32, #tpu.memory_space<smem>>
      %sub3A_33 = arith.subi %get3A_29, %get3A_32 : i32
      %dma_start3A_34 = arith.constant 2 : i32
      %dma_start3A_35 = arith.constant 0 : i32
      %dma_start3A_36 = tpu.memref_slice %arg3[%dma_start3A_34, %dma_start3A_35] : memref<63x64xf32, #tpu.memory_space<hbm>> -> memref<1x64xf32, #tpu.memory_space<hbm>>
      %dma_start3A_37 = tpu.memref_squeeze %dma_start3A_36 : memref<1x64xf32, #tpu.memory_space<hbm>> -> memref<64xf32, #tpu.memory_space<hbm>>
      %dma_start3A_38 = arith.constant 0 : i32
      %dma_start3A_39 = tpu.memref_slice %arg2[%sub3A_33, %dma_start3A_38] : memref<1000x64xf32, #tpu.memory_space<hbm>> -> memref<1x64xf32, #tpu.memory_space<hbm>>
      %dma_start3A_40 = tpu.memref_squeeze %dma_start3A_39 : memref<1x64xf32, #tpu.memory_space<hbm>> -> memref<64xf32, #tpu.memory_space<hbm>>
      tpu.enqueue_dma source(%dma_start3A_40 : memref<64xf32, #tpu.memory_space<hbm>>) target(%dma_start3A_37 : memref<64xf32, #tpu.memory_space<hbm>>) target_semaphore(%arg5 : memref<!tpu.dma_semaphore, #tpu.memory_space<semaphore_mem>>)
      %get3A_41 = arith.constant 4 : i32
      %get3A_42 = arith.index_cast %get3A_41 : i32 to index
      %get3A_43 = memref.load %arg4[%get3A_42] : memref<64xi32, #tpu.memory_space<smem>>
      %get3A_44 = arith.constant 3 : i32
      %get3A_45 = arith.index_cast %get3A_44 : i32 to index
      %get3A_46 = memref.load %arg4[%get3A_45] : memref<64xi32, #tpu.memory_space<smem>>
      %sub3A_47 = arith.subi %get3A_43, %get3A_46 : i32
      %dma_start3A_48 = arith.constant 3 : i32
      %dma_start3A_49 = arith.constant 0 : i32
      %dma_start3A_50 = tpu.memref_slice %arg3[%dma_start3A_48, %dma_start3A_49] : memref<63x64xf32, #tpu.memory_space<hbm>> -> memref<1x64xf32, #tpu.memory_space<hbm>>
      %dma_start3A_51 = tpu.memref_squeeze %dma_start3A_50 : memref<1x64xf32, #tpu.memory_space<hbm>> -> memref<64xf32, #tpu.memory_space<hbm>>
      %dma_start3A_52 = arith.constant 0 : i32
      %dma_start3A_53 = tpu.memref_slice %arg2[%sub3A_47, %dma_start3A_52] : memref<1000x64xf32, #tpu.memory_space<hbm>> -> memref<1x64xf32, #tpu.memory_space<hbm>>
      %dma_start3A_54 = tpu.memref_squeeze %dma_start3A_53 : memref<1x64xf32, #tpu.memory_space<hbm>> -> memref<64xf32, #tpu.memory_space<hbm>>
      tpu.enqueue_dma source(%dma_start3A_54 : memref<64xf32, #tpu.memory_space<hbm>>) target(%dma_start3A_51 : memref<64xf32, #tpu.memory_space<hbm>>) target_semaphore(%arg5 : memref<!tpu.dma_semaphore, #tpu.memory_space<semaphore_mem>>)
      %get3A_55 = arith.constant 5 : i32
      %get3A_56 = arith.index_cast %get3A_55 : i32 to index
      %get3A_57 = memref.load %arg4[%get3A_56] : memref<64xi32, #tpu.memory_space<smem>>
      %get3A_58 = arith.constant 4 : i32
      %get3A_59 = arith.index_cast %get3A_58 : i32 to index
      %get3A_60 = memref.load %arg4[%get3A_59] : memref<64xi32, #tpu.memory_space<smem>>
      %sub3A_61 = arith.subi %get3A_57, %get3A_60 : i32
      %dma_start3A_62 = arith.constant 4 : i32
      %dma_start3A_63 = arith.constant 0 : i32
      %dma_start3A_64 = tpu.memref_slice %arg3[%dma_start3A_62, %dma_start3A_63] : memref<63x64xf32, #tpu.memory_space<hbm>> -> memref<1x64xf32, #tpu.memory_space<hbm>>
      %dma_start3A_65 = tpu.memref_squeeze %dma_start3A_64 : memref<1x64xf32, #tpu.memory_space<hbm>> -> memref<64xf32, #tpu.memory_space<hbm>>
      %dma_start3A_66 = arith.constant 0 : i32
      %dma_start3A_67 = tpu.memref_slice %arg2[%sub3A_61, %dma_start3A_66] : memref<1000x64xf32, #tpu.memory_space<hbm>> -> memref<1x64xf32, #tpu.memory_space<hbm>>
      %dma_start3A_68 = tpu.memref_squeeze %dma_start3A_67 : memref<1x64xf32, #tpu.memory_space<hbm>> -> memref<64xf32, #tpu.memory_space<hbm>>
      tpu.enqueue_dma source(%dma_start3A_68 : memref<64xf32, #tpu.memory_space<hbm>>) target(%dma_start3A_65 : memref<64xf32, #tpu.memory_space<hbm>>) target_semaphore(%arg5 : memref<!tpu.dma_semaphore, #tpu.memory_space<semaphore_mem>>)
      %get3A_69 = arith.constant 6 : i32
      %get3A_70 = arith.index_cast %get3A_69 : i32 to index
      %get3A_71 = memref.load %arg4[%get3A_70] : memref<64xi32, #tpu.memory_space<smem>>
      %get3A_72 = arith.constant 5 : i32
      %get3A_73 = arith.index_cast %get3A_72 : i32 to index
      %get3A_74 = memref.load %arg4[%get3A_73] : memref<64xi32, #tpu.memory_space<smem>>
      %sub3A_75 = arith.subi %get3A_71, %get3A_74 : i32
      %dma_start3A_76 = arith.constant 5 : i32
      %dma_start3A_77 = arith.constant 0 : i32
      %dma_start3A_78 = tpu.memref_slice %arg3[%dma_start3A_76, %dma_start3A_77] : memref<63x64xf32, #tpu.memory_space<hbm>> -> memref<1x64xf32, #tpu.memory_space<hbm>>
      %dma_start3A_79 = tpu.memref_squeeze %dma_start3A_78 : memref<1x64xf32, #tpu.memory_space<hbm>> -> memref<64xf32, #tpu.memory_space<hbm>>
      %dma_start3A_80 = arith.constant 0 : i32
      %dma_start3A_81 = tpu.memref_slice %arg2[%sub3A_75, %dma_start3A_80] : memref<1000x64xf32, #tpu.memory_space<hbm>> -> memref<1x64xf32, #tpu.memory_space<hbm>>
      %dma_start3A_82 = tpu.memref_squeeze %dma_start3A_81 : memref<1x64xf32, #tpu.memory_space<hbm>> -> memref<64xf32, #tpu.memory_space<hbm>>
      tpu.enqueue_dma source(%dma_start3A_82 : memref<64xf32, #tpu.memory_space<hbm>>) target(%dma_start3A_79 : memref<64xf32, #tpu.memory_space<hbm>>) target_semaphore(%arg5 : memref<!tpu.dma_semaphore, #tpu.memory_space<semaphore_mem>>)
      %get3A_83 = arith.constant 7 : i32
      %get3A_84 = arith.index_cast %get3A_83 : i32 to index
      %get3A_85 = memref.load %arg4[%get3A_84] : memref<64xi32, #tpu.memory_space<smem>>
      %get3A_86 = arith.constant 6 : i32
      %get3A_87 = arith.index_cast %get3A_86 : i32 to index
      %get3A_88 = memref.load %arg4[%get3A_87] : memref<64xi32, #tpu.memory_space<smem>>
      %sub3A_89 = arith.subi %get3A_85, %get3A_88 : i32
      %dma_start3A_90 = arith.constant 6 : i32
      %dma_start3A_91 = arith.constant 0 : i32
      %dma_start3A_92 = tpu.memref_slice %arg3[%dma_start3A_90, %dma_start3A_91] : memref<63x64xf32, #tpu.memory_space<hbm>> -> memref<1x64xf32, #tpu.memory_space<hbm>>
      %dma_start3A_93 = tpu.memref_squeeze %dma_start3A_92 : memref<1x64xf32, #tpu.memory_space<hbm>> -> memref<64xf32, #tpu.memory_space<hbm>>
      %dma_start3A_94 = arith.constant 0 : i32
      %dma_start3A_95 = tpu.memref_slice %arg2[%sub3A_89, %dma_start3A_94] : memref<1000x64xf32, #tpu.memory_space<hbm>> -> memref<1x64xf32, #tpu.memory_space<hbm>>
      %dma_start3A_96 = tpu.memref_squeeze %dma_start3A_95 : memref<1x64xf32, #tpu.memory_space<hbm>> -> memref<64xf32, #tpu.memory_space<hbm>>
      tpu.enqueue_dma source(%dma_start3A_96 : memref<64xf32, #tpu.memory_space<hbm>>) target(%dma_start3A_93 : memref<64xf32, #tpu.memory_space<hbm>>) target_semaphore(%arg5 : memref<!tpu.dma_semaphore, #tpu.memory_space<semaphore_mem>>)
      %get3A_97 = arith.constant 8 : i32
      %get3A_98 = arith.index_cast %get3A_97 : i32 to index
      %get3A_99 = memref.load %arg4[%get3A_98] : memref<64xi32, #tpu.memory_space<smem>>
      %get3A_100 = arith.constant 7 : i32
      %get3A_101 = arith.index_cast %get3A_100 : i32 to index
      %get3A_102 = memref.load %arg4[%get3A_101] : memref<64xi32, #tpu.memory_space<smem>>
      %sub3A_103 = arith.subi %get3A_99, %get3A_102 : i32
      %dma_start3A_104 = arith.constant 7 : i32
      %dma_start3A_105 = arith.constant 0 : i32
      %dma_start3A_106 = tpu.memref_slice %arg3[%dma_start3A_104, %dma_start3A_105] : memref<63x64xf32, #tpu.memory_space<hbm>> -> memref<1x64xf32, #tpu.memory_space<hbm>>
      %dma_start3A_107 = tpu.memref_squeeze %dma_start3A_106 : memref<1x64xf32, #tpu.memory_space<hbm>> -> memref<64xf32, #tpu.memory_space<hbm>>
      %dma_start3A_108 = arith.constant 0 : i32
      %dma_start3A_109 = tpu.memref_slice %arg2[%sub3A_103, %dma_start3A_108] : memref<1000x64xf32, #tpu.memory_space<hbm>> -> memref<1x64xf32, #tpu.memory_space<hbm>>
      %dma_start3A_110 = tpu.memref_squeeze %dma_start3A_109 : memref<1x64xf32, #tpu.memory_space<hbm>> -> memref<64xf32, #tpu.memory_space<hbm>>
      tpu.enqueue_dma source(%dma_start3A_110 : memref<64xf32, #tpu.memory_space<hbm>>) target(%dma_start3A_107 : memref<64xf32, #tpu.memory_space<hbm>>) target_semaphore(%arg5 : memref<!tpu.dma_semaphore, #tpu.memory_space<semaphore_mem>>)
      %get3A_111 = arith.constant 9 : i32
      %get3A_112 = arith.index_cast %get3A_111 : i32 to index
      %get3A_113 = memref.load %arg4[%get3A_112] : memref<64xi32, #tpu.memory_space<smem>>
      %get3A_114 = arith.constant 8 : i32
      %get3A_115 = arith.index_cast %get3A_114 : i32 to index
      %get3A_116 = memref.load %arg4[%get3A_115] : memref<64xi32, #tpu.memory_space<smem>>
      %sub3A_117 = arith.subi %get3A_113, %get3A_116 : i32
      %dma_start3A_118 = arith.constant 8 : i32
      %dma_start3A_119 = arith.constant 0 : i32
      %dma_start3A_120 = tpu.memref_slice %arg3[%dma_start3A_118, %dma_start3A_119] : memref<63x64xf32, #tpu.memory_space<hbm>> -> memref<1x64xf32, #tpu.memory_space<hbm>>
      %dma_start3A_121 = tpu.memref_squeeze %dma_start3A_120 : memref<1x64xf32, #tpu.memory_space<hbm>> -> memref<64xf32, #tpu.memory_space<hbm>>
      %dma_start3A_122 = arith.constant 0 : i32
      %dma_start3A_123 = tpu.memref_slice %arg2[%sub3A_117, %dma_start3A_122] : memref<1000x64xf32, #tpu.memory_space<hbm>> -> memref<1x64xf32, #tpu.memory_space<hbm>>
      %dma_start3A_124 = tpu.memref_squeeze %dma_start3A_123 : memref<1x64xf32, #tpu.memory_space<hbm>> -> memref<64xf32, #tpu.memory_space<hbm>>
      tpu.enqueue_dma source(%dma_start3A_124 : memref<64xf32, #tpu.memory_space<hbm>>) target(%dma_start3A_121 : memref<64xf32, #tpu.memory_space<hbm>>) target_semaphore(%arg5 : memref<!tpu.dma_semaphore, #tpu.memory_space<semaphore_mem>>)
      %get3A_125 = arith.constant 10 : i32
      %get3A_126 = arith.index_cast %get3A_125 : i32 to index
      %get3A_127 = memref.load %arg4[%get3A_126] : memref<64xi32, #tpu.memory_space<smem>>
      %get3A_128 = arith.constant 9 : i32
      %get3A_129 = arith.index_cast %get3A_128 : i32 to index
      %get3A_130 = memref.load %arg4[%get3A_129] : memref<64xi32, #tpu.memory_space<smem>>
      %sub3A_131 = arith.subi %get3A_127, %get3A_130 : i32
      %dma_start3A_132 = arith.constant 9 : i32
      %dma_start3A_133 = arith.constant 0 : i32
      %dma_start3A_134 = tpu.memref_slice %arg3[%dma_start3A_132, %dma_start3A_133] : memref<63x64xf32, #tpu.memory_space<hbm>> -> memref<1x64xf32, #tpu.memory_space<hbm>>
      %dma_start3A_135 = tpu.memref_squeeze %dma_start3A_134 : memref<1x64xf32, #tpu.memory_space<hbm>> -> memref<64xf32, #tpu.memory_space<hbm>>
      %dma_start3A_136 = arith.constant 0 : i32
      %dma_start3A_137 = tpu.memref_slice %arg2[%sub3A_131, %dma_start3A_136] : memref<1000x64xf32, #tpu.memory_space<hbm>> -> memref<1x64xf32, #tpu.memory_space<hbm>>
      %dma_start3A_138 = tpu.memref_squeeze %dma_start3A_137 : memref<1x64xf32, #tpu.memory_space<hbm>> -> memref<64xf32, #tpu.memory_space<hbm>>
      tpu.enqueue_dma source(%dma_start3A_138 : memref<64xf32, #tpu.memory_space<hbm>>) target(%dma_start3A_135 : memref<64xf32, #tpu.memory_space<hbm>>) target_semaphore(%arg5 : memref<!tpu.dma_semaphore, #tpu.memory_space<semaphore_mem>>)
      %get3A_139 = arith.constant 11 : i32
      %get3A_140 = arith.index_cast %get3A_139 : i32 to index
      %get3A_141 = memref.load %arg4[%get3A_140] : memref<64xi32, #tpu.memory_space<smem>>
      %get3A_142 = arith.constant 10 : i32
      %get3A_143 = arith.index_cast %get3A_142 : i32 to index
      %get3A_144 = memref.load %arg4[%get3A_143] : memref<64xi32, #tpu.memory_space<smem>>
      %sub3A_145 = arith.subi %get3A_141, %get3A_144 : i32
      %dma_start3A_146 = arith.constant 10 : i32
      %dma_start3A_147 = arith.constant 0 : i32
      %dma_start3A_148 = tpu.memref_slice %arg3[%dma_start3A_146, %dma_start3A_147] : memref<63x64xf32, #tpu.memory_space<hbm>> -> memref<1x64xf32, #tpu.memory_space<hbm>>
      %dma_start3A_149 = tpu.memref_squeeze %dma_start3A_148 : memref<1x64xf32, #tpu.memory_space<hbm>> -> memref<64xf32, #tpu.memory_space<hbm>>
      %dma_start3A_150 = arith.constant 0 : i32
      %dma_start3A_151 = tpu.memref_slice %arg2[%sub3A_145, %dma_start3A_150] : memref<1000x64xf32, #tpu.memory_space<hbm>> -> memref<1x64xf32, #tpu.memory_space<hbm>>
      %dma_start3A_152 = tpu.memref_squeeze %dma_start3A_151 : memref<1x64xf32, #tpu.memory_space<hbm>> -> memref<64xf32, #tpu.memory_space<hbm>>
      tpu.enqueue_dma source(%dma_start3A_152 : memref<64xf32, #tpu.memory_space<hbm>>) target(%dma_start3A_149 : memref<64xf32, #tpu.memory_space<hbm>>) target_semaphore(%arg5 : memref<!tpu.dma_semaphore, #tpu.memory_space<semaphore_mem>>)
      %get3A_153 = arith.constant 12 : i32
      %get3A_154 = arith.index_cast %get3A_153 : i32 to index
      %get3A_155 = memref.load %arg4[%get3A_154] : memref<64xi32, #tpu.memory_space<smem>>
      %get3A_156 = arith.constant 11 : i32
      %get3A_157 = arith.index_cast %get3A_156 : i32 to index
      %get3A_158 = memref.load %arg4[%get3A_157] : memref<64xi32, #tpu.memory_space<smem>>
      %sub3A_159 = arith.subi %get3A_155, %get3A_158 : i32
      %dma_start3A_160 = arith.constant 11 : i32
      %dma_start3A_161 = arith.constant 0 : i32
      %dma_start3A_162 = tpu.memref_slice %arg3[%dma_start3A_160, %dma_start3A_161] : memref<63x64xf32, #tpu.memory_space<hbm>> -> memref<1x64xf32, #tpu.memory_space<hbm>>
      %dma_start3A_163 = tpu.memref_squeeze %dma_start3A_162 : memref<1x64xf32, #tpu.memory_space<hbm>> -> memref<64xf32, #tpu.memory_space<hbm>>
      %dma_start3A_164 = arith.constant 0 : i32
      %dma_start3A_165 = tpu.memref_slice %arg2[%sub3A_159, %dma_start3A_164] : memref<1000x64xf32, #tpu.memory_space<hbm>> -> memref<1x64xf32, #tpu.memory_space<hbm>>
      %dma_start3A_166 = tpu.memref_squeeze %dma_start3A_165 : memref<1x64xf32, #tpu.memory_space<hbm>> -> memref<64xf32, #tpu.memory_space<hbm>>
      tpu.enqueue_dma source(%dma_start3A_166 : memref<64xf32, #tpu.memory_space<hbm>>) target(%dma_start3A_163 : memref<64xf32, #tpu.memory_space<hbm>>) target_semaphore(%arg5 : memref<!tpu.dma_semaphore, #tpu.memory_space<semaphore_mem>>)
      %get3A_167 = arith.constant 13 : i32
      %get3A_168 = arith.index_cast %get3A_167 : i32 to index
      %get3A_169 = memref.load %arg4[%get3A_168] : memref<64xi32, #tpu.memory_space<smem>>
      %get3A_170 = arith.constant 12 : i32
      %get3A_171 = arith.index_cast %get3A_170 : i32 to index
      %get3A_172 = memref.load %arg4[%get3A_171] : memref<64xi32, #tpu.memory_space<smem>>
      %sub3A_173 = arith.subi %get3A_169, %get3A_172 : i32
      %dma_start3A_174 = arith.constant 12 : i32
      %dma_start3A_175 = arith.constant 0 : i32
      %dma_start3A_176 = tpu.memref_slice %arg3[%dma_start3A_174, %dma_start3A_175] : memref<63x64xf32, #tpu.memory_space<hbm>> -> memref<1x64xf32, #tpu.memory_space<hbm>>
      %dma_start3A_177 = tpu.memref_squeeze %dma_start3A_176 : memref<1x64xf32, #tpu.memory_space<hbm>> -> memref<64xf32, #tpu.memory_space<hbm>>
      %dma_start3A_178 = arith.constant 0 : i32
      %dma_start3A_179 = tpu.memref_slice %arg2[%sub3A_173, %dma_start3A_178] : memref<1000x64xf32, #tpu.memory_space<hbm>> -> memref<1x64xf32, #tpu.memory_space<hbm>>
      %dma_start3A_180 = tpu.memref_squeeze %dma_start3A_179 : memref<1x64xf32, #tpu.memory_space<hbm>> -> memref<64xf32, #tpu.memory_space<hbm>>
      tpu.enqueue_dma source(%dma_start3A_180 : memref<64xf32, #tpu.memory_space<hbm>>) target(%dma_start3A_177 : memref<64xf32, #tpu.memory_space<hbm>>) target_semaphore(%arg5 : memref<!tpu.dma_semaphore, #tpu.memory_space<semaphore_mem>>)
      %get3A_181 = arith.constant 14 : i32
      %get3A_182 = arith.index_cast %get3A_181 : i32 to index
      %get3A_183 = memref.load %arg4[%get3A_182] : memref<64xi32, #tpu.memory_space<smem>>
      %get3A_184 = arith.constant 13 : i32
      %get3A_185 = arith.index_cast %get3A_184 : i32 to index
      %get3A_186 = memref.load %arg4[%get3A_185] : memref<64xi32, #tpu.memory_space<smem>>
      %sub3A_187 = arith.subi %get3A_183, %get3A_186 : i32
      %dma_start3A_188 = arith.constant 13 : i32
      %dma_start3A_189 = arith.constant 0 : i32
      %dma_start3A_190 = tpu.memref_slice %arg3[%dma_start3A_188, %dma_start3A_189] : memref<63x64xf32, #tpu.memory_space<hbm>> -> memref<1x64xf32, #tpu.memory_space<hbm>>
      %dma_start3A_191 = tpu.memref_squeeze %dma_start3A_190 : memref<1x64xf32, #tpu.memory_space<hbm>> -> memref<64xf32, #tpu.memory_space<hbm>>
      %dma_start3A_192 = arith.constant 0 : i32
      %dma_start3A_193 = tpu.memref_slice %arg2[%sub3A_187, %dma_start3A_192] : memref<1000x64xf32, #tpu.memory_space<hbm>> -> memref<1x64xf32, #tpu.memory_space<hbm>>
      %dma_start3A_194 = tpu.memref_squeeze %dma_start3A_193 : memref<1x64xf32, #tpu.memory_space<hbm>> -> memref<64xf32, #tpu.memory_space<hbm>>
      tpu.enqueue_dma source(%dma_start3A_194 : memref<64xf32, #tpu.memory_space<hbm>>) target(%dma_start3A_191 : memref<64xf32, #tpu.memory_space<hbm>>) target_semaphore(%arg5 : memref<!tpu.dma_semaphore, #tpu.memory_space<semaphore_mem>>)
      %get3A_195 = arith.constant 15 : i32
      %get3A_196 = arith.index_cast %get3A_195 : i32 to index
      %get3A_197 = memref.load %arg4[%get3A_196] : memref<64xi32, #tpu.memory_space<smem>>
      %get3A_198 = arith.constant 14 : i32
      %get3A_199 = arith.index_cast %get3A_198 : i32 to index
      %get3A_200 = memref.load %arg4[%get3A_199] : memref<64xi32, #tpu.memory_space<smem>>
      %sub3A_201 = arith.subi %get3A_197, %get3A_200 : i32
      %dma_start3A_202 = arith.constant 14 : i32
      %dma_start3A_203 = arith.constant 0 : i32
      %dma_start3A_204 = tpu.memref_slice %arg3[%dma_start3A_202, %dma_start3A_203] : memref<63x64xf32, #tpu.memory_space<hbm>> -> memref<1x64xf32, #tpu.memory_space<hbm>>
      %dma_start3A_205 = tpu.memref_squeeze %dma_start3A_204 : memref<1x64xf32, #tpu.memory_space<hbm>> -> memref<64xf32, #tpu.memory_space<hbm>>
      %dma_start3A_206 = arith.constant 0 : i32
      %dma_start3A_207 = tpu.memref_slice %arg2[%sub3A_201, %dma_start3A_206] : memref<1000x64xf32, #tpu.memory_space<hbm>> -> memref<1x64xf32, #tpu.memory_space<hbm>>
      %dma_start3A_208 = tpu.memref_squeeze %dma_start3A_207 : memref<1x64xf32, #tpu.memory_space<hbm>> -> memref<64xf32, #tpu.memory_space<hbm>>
      tpu.enqueue_dma source(%dma_start3A_208 : memref<64xf32, #tpu.memory_space<hbm>>) target(%dma_start3A_205 : memref<64xf32, #tpu.memory_space<hbm>>) target_semaphore(%arg5 : memref<!tpu.dma_semaphore, #tpu.memory_space<semaphore_mem>>)
      %get3A_209 = arith.constant 16 : i32
      %get3A_210 = arith.index_cast %get3A_209 : i32 to index
      %get3A_211 = memref.load %arg4[%get3A_210] : memref<64xi32, #tpu.memory_space<smem>>
      %get3A_212 = arith.constant 15 : i32
      %get3A_213 = arith.index_cast %get3A_212 : i32 to index
      %get3A_214 = memref.load %arg4[%get3A_213] : memref<64xi32, #tpu.memory_space<smem>>
      %sub3A_215 = arith.subi %get3A_211, %get3A_214 : i32
      %dma_start3A_216 = arith.constant 15 : i32
      %dma_start3A_217 = arith.constant 0 : i32
      %dma_start3A_218 = tpu.memref_slice %arg3[%dma_start3A_216, %dma_start3A_217] : memref<63x64xf32, #tpu.memory_space<hbm>> -> memref<1x64xf32, #tpu.memory_space<hbm>>
      %dma_start3A_219 = tpu.memref_squeeze %dma_start3A_218 : memref<1x64xf32, #tpu.memory_space<hbm>> -> memref<64xf32, #tpu.memory_space<hbm>>
      %dma_start3A_220 = arith.constant 0 : i32
      %dma_start3A_221 = tpu.memref_slice %arg2[%sub3A_215, %dma_start3A_220] : memref<1000x64xf32, #tpu.memory_space<hbm>> -> memref<1x64xf32, #tpu.memory_space<hbm>>
      %dma_start3A_222 = tpu.memref_squeeze %dma_start3A_221 : memref<1x64xf32, #tpu.memory_space<hbm>> -> memref<64xf32, #tpu.memory_space<hbm>>
      tpu.enqueue_dma source(%dma_start3A_222 : memref<64xf32, #tpu.memory_space<hbm>>) target(%dma_start3A_219 : memref<64xf32, #tpu.memory_space<hbm>>) target_semaphore(%arg5 : memref<!tpu.dma_semaphore, #tpu.memory_space<semaphore_mem>>)
      %get3A_223 = arith.constant 17 : i32
      %get3A_224 = arith.index_cast %get3A_223 : i32 to index
      %get3A_225 = memref.load %arg4[%get3A_224] : memref<64xi32, #tpu.memory_space<smem>>
      %get3A_226 = arith.constant 16 : i32
      %get3A_227 = arith.index_cast %get3A_226 : i32 to index
      %get3A_228 = memref.load %arg4[%get3A_227] : memref<64xi32, #tpu.memory_space<smem>>
      %sub3A_229 = arith.subi %get3A_225, %get3A_228 : i32
      %dma_start3A_230 = arith.constant 16 : i32
      %dma_start3A_231 = arith.constant 0 : i32
      %dma_start3A_232 = tpu.memref_slice %arg3[%dma_start3A_230, %dma_start3A_231] : memref<63x64xf32, #tpu.memory_space<hbm>> -> memref<1x64xf32, #tpu.memory_space<hbm>>
      %dma_start3A_233 = tpu.memref_squeeze %dma_start3A_232 : memref<1x64xf32, #tpu.memory_space<hbm>> -> memref<64xf32, #tpu.memory_space<hbm>>
      %dma_start3A_234 = arith.constant 0 : i32
      %dma_start3A_235 = tpu.memref_slice %arg2[%sub3A_229, %dma_start3A_234] : memref<1000x64xf32, #tpu.memory_space<hbm>> -> memref<1x64xf32, #tpu.memory_space<hbm>>
      %dma_start3A_236 = tpu.memref_squeeze %dma_start3A_235 : memref<1x64xf32, #tpu.memory_space<hbm>> -> memref<64xf32, #tpu.memory_space<hbm>>
      tpu.enqueue_dma source(%dma_start3A_236 : memref<64xf32, #tpu.memory_space<hbm>>) target(%dma_start3A_233 : memref<64xf32, #tpu.memory_space<hbm>>) target_semaphore(%arg5 : memref<!tpu.dma_semaphore, #tpu.memory_space<semaphore_mem>>)
      %get3A_237 = arith.constant 18 : i32
      %get3A_238 = arith.index_cast %get3A_237 : i32 to index
      %get3A_239 = memref.load %arg4[%get3A_238] : memref<64xi32, #tpu.memory_space<smem>>
      %get3A_240 = arith.constant 17 : i32
      %get3A_241 = arith.index_cast %get3A_240 : i32 to index
      %get3A_242 = memref.load %arg4[%get3A_241] : memref<64xi32, #tpu.memory_space<smem>>
      %sub3A_243 = arith.subi %get3A_239, %get3A_242 : i32
      %dma_start3A_244 = arith.constant 17 : i32
      %dma_start3A_245 = arith.constant 0 : i32
      %dma_start3A_246 = tpu.memref_slice %arg3[%dma_start3A_244, %dma_start3A_245] : memref<63x64xf32, #tpu.memory_space<hbm>> -> memref<1x64xf32, #tpu.memory_space<hbm>>
      %dma_start3A_247 = tpu.memref_squeeze %dma_start3A_246 : memref<1x64xf32, #tpu.memory_space<hbm>> -> memref<64xf32, #tpu.memory_space<hbm>>
      %dma_start3A_248 = arith.constant 0 : i32
      %dma_start3A_249 = tpu.memref_slice %arg2[%sub3A_243, %dma_start3A_248] : memref<1000x64xf32, #tpu.memory_space<hbm>> -> memref<1x64xf32, #tpu.memory_space<hbm>>
      %dma_start3A_250 = tpu.memref_squeeze %dma_start3A_249 : memref<1x64xf32, #tpu.memory_space<hbm>> -> memref<64xf32, #tpu.memory_space<hbm>>
      tpu.enqueue_dma source(%dma_start3A_250 : memref<64xf32, #tpu.memory_space<hbm>>) target(%dma_start3A_247 : memref<64xf32, #tpu.memory_space<hbm>>) target_semaphore(%arg5 : memref<!tpu.dma_semaphore, #tpu.memory_space<semaphore_mem>>)
      %get3A_251 = arith.constant 19 : i32
      %get3A_252 = arith.index_cast %get3A_251 : i32 to index
      %get3A_253 = memref.load %arg4[%get3A_252] : memref<64xi32, #tpu.memory_space<smem>>
      %get3A_254 = arith.constant 18 : i32
      %get3A_255 = arith.index_cast %get3A_254 : i32 to index
      %get3A_256 = memref.load %arg4[%get3A_255] : memref<64xi32, #tpu.memory_space<smem>>
      %sub3A_257 = arith.subi %get3A_253, %get3A_256 : i32
      %dma_start3A_258 = arith.constant 18 : i32
      %dma_start3A_259 = arith.constant 0 : i32
      %dma_start3A_260 = tpu.memref_slice %arg3[%dma_start3A_258, %dma_start3A_259] : memref<63x64xf32, #tpu.memory_space<hbm>> -> memref<1x64xf32, #tpu.memory_space<hbm>>
      %dma_start3A_261 = tpu.memref_squeeze %dma_start3A_260 : memref<1x64xf32, #tpu.memory_space<hbm>> -> memref<64xf32, #tpu.memory_space<hbm>>
      %dma_start3A_262 = arith.constant 0 : i32
      %dma_start3A_263 = tpu.memref_slice %arg2[%sub3A_257, %dma_start3A_262] : memref<1000x64xf32, #tpu.memory_space<hbm>> -> memref<1x64xf32, #tpu.memory_space<hbm>>
      %dma_start3A_264 = tpu.memref_squeeze %dma_start3A_263 : memref<1x64xf32, #tpu.memory_space<hbm>> -> memref<64xf32, #tpu.memory_space<hbm>>
      tpu.enqueue_dma source(%dma_start3A_264 : memref<64xf32, #tpu.memory_space<hbm>>) target(%dma_start3A_261 : memref<64xf32, #tpu.memory_space<hbm>>) target_semaphore(%arg5 : memref<!tpu.dma_semaphore, #tpu.memory_space<semaphore_mem>>)
      %get3A_265 = arith.constant 20 : i32
      %get3A_266 = arith.index_cast %get3A_265 : i32 to index
      %get3A_267 = memref.load %arg4[%get3A_266] : memref<64xi32, #tpu.memory_space<smem>>
      %get3A_268 = arith.constant 19 : i32
      %get3A_269 = arith.index_cast %get3A_268 : i32 to index
      %get3A_270 = memref.load %arg4[%get3A_269] : memref<64xi32, #tpu.memory_space<smem>>
      %sub3A_271 = arith.subi %get3A_267, %get3A_270 : i32
      %dma_start3A_272 = arith.constant 19 : i32
      %dma_start3A_273 = arith.constant 0 : i32
      %dma_start3A_274 = tpu.memref_slice %arg3[%dma_start3A_272, %dma_start3A_273] : memref<63x64xf32, #tpu.memory_space<hbm>> -> memref<1x64xf32, #tpu.memory_space<hbm>>
      %dma_start3A_275 = tpu.memref_squeeze %dma_start3A_274 : memref<1x64xf32, #tpu.memory_space<hbm>> -> memref<64xf32, #tpu.memory_space<hbm>>
      %dma_start3A_276 = arith.constant 0 : i32
      %dma_start3A_277 = tpu.memref_slice %arg2[%sub3A_271, %dma_start3A_276] : memref<1000x64xf32, #tpu.memory_space<hbm>> -> memref<1x64xf32, #tpu.memory_space<hbm>>
      %dma_start3A_278 = tpu.memref_squeeze %dma_start3A_277 : memref<1x64xf32, #tpu.memory_space<hbm>> -> memref<64xf32, #tpu.memory_space<hbm>>
      tpu.enqueue_dma source(%dma_start3A_278 : memref<64xf32, #tpu.memory_space<hbm>>) target(%dma_start3A_275 : memref<64xf32, #tpu.memory_space<hbm>>) target_semaphore(%arg5 : memref<!tpu.dma_semaphore, #tpu.memory_space<semaphore_mem>>)
      %get3A_279 = arith.constant 21 : i32
      %get3A_280 = arith.index_cast %get3A_279 : i32 to index
      %get3A_281 = memref.load %arg4[%get3A_280] : memref<64xi32, #tpu.memory_space<smem>>
      %get3A_282 = arith.constant 20 : i32
      %get3A_283 = arith.index_cast %get3A_282 : i32 to index
      %get3A_284 = memref.load %arg4[%get3A_283] : memref<64xi32, #tpu.memory_space<smem>>
      %sub3A_285 = arith.subi %get3A_281, %get3A_284 : i32
      %dma_start3A_286 = arith.constant 20 : i32
      %dma_start3A_287 = arith.constant 0 : i32
      %dma_start3A_288 = tpu.memref_slice %arg3[%dma_start3A_286, %dma_start3A_287] : memref<63x64xf32, #tpu.memory_space<hbm>> -> memref<1x64xf32, #tpu.memory_space<hbm>>
      %dma_start3A_289 = tpu.memref_squeeze %dma_start3A_288 : memref<1x64xf32, #tpu.memory_space<hbm>> -> memref<64xf32, #tpu.memory_space<hbm>>
      %dma_start3A_290 = arith.constant 0 : i32
      %dma_start3A_291 = tpu.memref_slice %arg2[%sub3A_285, %dma_start3A_290] : memref<1000x64xf32, #tpu.memory_space<hbm>> -> memref<1x64xf32, #tpu.memory_space<hbm>>
      %dma_start3A_292 = tpu.memref_squeeze %dma_start3A_291 : memref<1x64xf32, #tpu.memory_space<hbm>> -> memref<64xf32, #tpu.memory_space<hbm>>
      tpu.enqueue_dma source(%dma_start3A_292 : memref<64xf32, #tpu.memory_space<hbm>>) target(%dma_start3A_289 : memref<64xf32, #tpu.memory_space<hbm>>) target_semaphore(%arg5 : memref<!tpu.dma_semaphore, #tpu.memory_space<semaphore_mem>>)
      %get3A_293 = arith.constant 22 : i32
      %get3A_294 = arith.index_cast %get3A_293 : i32 to index
      %get3A_295 = memref.load %arg4[%get3A_294] : memref<64xi32, #tpu.memory_space<smem>>
      %get3A_296 = arith.constant 21 : i32
      %get3A_297 = arith.index_cast %get3A_296 : i32 to index
      %get3A_298 = memref.load %arg4[%get3A_297] : memref<64xi32, #tpu.memory_space<smem>>
      %sub3A_299 = arith.subi %get3A_295, %get3A_298 : i32
      %dma_start3A_300 = arith.constant 21 : i32
      %dma_start3A_301 = arith.constant 0 : i32
      %dma_start3A_302 = tpu.memref_slice %arg3[%dma_start3A_300, %dma_start3A_301] : memref<63x64xf32, #tpu.memory_space<hbm>> -> memref<1x64xf32, #tpu.memory_space<hbm>>
      %dma_start3A_303 = tpu.memref_squeeze %dma_start3A_302 : memref<1x64xf32, #tpu.memory_space<hbm>> -> memref<64xf32, #tpu.memory_space<hbm>>
      %dma_start3A_304 = arith.constant 0 : i32
      %dma_start3A_305 = tpu.memref_slice %arg2[%sub3A_299, %dma_start3A_304] : memref<1000x64xf32, #tpu.memory_space<hbm>> -> memref<1x64xf32, #tpu.memory_space<hbm>>
      %dma_start3A_306 = tpu.memref_squeeze %dma_start3A_305 : memref<1x64xf32, #tpu.memory_space<hbm>> -> memref<64xf32, #tpu.memory_space<hbm>>
      tpu.enqueue_dma source(%dma_start3A_306 : memref<64xf32, #tpu.memory_space<hbm>>) target(%dma_start3A_303 : memref<64xf32, #tpu.memory_space<hbm>>) target_semaphore(%arg5 : memref<!tpu.dma_semaphore, #tpu.memory_space<semaphore_mem>>)
      %get3A_307 = arith.constant 23 : i32
      %get3A_308 = arith.index_cast %get3A_307 : i32 to index
      %get3A_309 = memref.load %arg4[%get3A_308] : memref<64xi32, #tpu.memory_space<smem>>
      %get3A_310 = arith.constant 22 : i32
      %get3A_311 = arith.index_cast %get3A_310 : i32 to index
      %get3A_312 = memref.load %arg4[%get3A_311] : memref<64xi32, #tpu.memory_space<smem>>
      %sub3A_313 = arith.subi %get3A_309, %get3A_312 : i32
      %dma_start3A_314 = arith.constant 22 : i32
      %dma_start3A_315 = arith.constant 0 : i32
      %dma_start3A_316 = tpu.memref_slice %arg3[%dma_start3A_314, %dma_start3A_315] : memref<63x64xf32, #tpu.memory_space<hbm>> -> memref<1x64xf32, #tpu.memory_space<hbm>>
      %dma_start3A_317 = tpu.memref_squeeze %dma_start3A_316 : memref<1x64xf32, #tpu.memory_space<hbm>> -> memref<64xf32, #tpu.memory_space<hbm>>
      %dma_start3A_318 = arith.constant 0 : i32
      %dma_start3A_319 = tpu.memref_slice %arg2[%sub3A_313, %dma_start3A_318] : memref<1000x64xf32, #tpu.memory_space<hbm>> -> memref<1x64xf32, #tpu.memory_space<hbm>>
      %dma_start3A_320 = tpu.memref_squeeze %dma_start3A_319 : memref<1x64xf32, #tpu.memory_space<hbm>> -> memref<64xf32, #tpu.memory_space<hbm>>
      tpu.enqueue_dma source(%dma_start3A_320 : memref<64xf32, #tpu.memory_space<hbm>>) target(%dma_start3A_317 : memref<64xf32, #tpu.memory_space<hbm>>) target_semaphore(%arg5 : memref<!tpu.dma_semaphore, #tpu.memory_space<semaphore_mem>>)
      %get3A_321 = arith.constant 24 : i32
      %get3A_322 = arith.index_cast %get3A_321 : i32 to index
      %get3A_323 = memref.load %arg4[%get3A_322] : memref<64xi32, #tpu.memory_space<smem>>
      %get3A_324 = arith.constant 23 : i32
      %get3A_325 = arith.index_cast %get3A_324 : i32 to index
      %get3A_326 = memref.load %arg4[%get3A_325] : memref<64xi32, #tpu.memory_space<smem>>
      %sub3A_327 = arith.subi %get3A_323, %get3A_326 : i32
      %dma_start3A_328 = arith.constant 23 : i32
      %dma_start3A_329 = arith.constant 0 : i32
      %dma_start3A_330 = tpu.memref_slice %arg3[%dma_start3A_328, %dma_start3A_329] : memref<63x64xf32, #tpu.memory_space<hbm>> -> memref<1x64xf32, #tpu.memory_space<hbm>>
      %dma_start3A_331 = tpu.memref_squeeze %dma_start3A_330 : memref<1x64xf32, #tpu.memory_space<hbm>> -> memref<64xf32, #tpu.memory_space<hbm>>
      %dma_start3A_332 = arith.constant 0 : i32
      %dma_start3A_333 = tpu.memref_slice %arg2[%sub3A_327, %dma_start3A_332] : memref<1000x64xf32, #tpu.memory_space<hbm>> -> memref<1x64xf32, #tpu.memory_space<hbm>>
      %dma_start3A_334 = tpu.memref_squeeze %dma_start3A_333 : memref<1x64xf32, #tpu.memory_space<hbm>> -> memref<64xf32, #tpu.memory_space<hbm>>
      tpu.enqueue_dma source(%dma_start3A_334 : memref<64xf32, #tpu.memory_space<hbm>>) target(%dma_start3A_331 : memref<64xf32, #tpu.memory_space<hbm>>) target_semaphore(%arg5 : memref<!tpu.dma_semaphore, #tpu.memory_space<semaphore_mem>>)
      %get3A_335 = arith.constant 25 : i32
      %get3A_336 = arith.index_cast %get3A_335 : i32 to index
      %get3A_337 = memref.load %arg4[%get3A_336] : memref<64xi32, #tpu.memory_space<smem>>
      %get3A_338 = arith.constant 24 : i32
      %get3A_339 = arith.index_cast %get3A_338 : i32 to index
      %get3A_340 = memref.load %arg4[%get3A_339] : memref<64xi32, #tpu.memory_space<smem>>
      %sub3A_341 = arith.subi %get3A_337, %get3A_340 : i32
      %dma_start3A_342 = arith.constant 24 : i32
      %dma_start3A_343 = arith.constant 0 : i32
      %dma_start3A_344 = tpu.memref_slice %arg3[%dma_start3A_342, %dma_start3A_343] : memref<63x64xf32, #tpu.memory_space<hbm>> -> memref<1x64xf32, #tpu.memory_space<hbm>>
      %dma_start3A_345 = tpu.memref_squeeze %dma_start3A_344 : memref<1x64xf32, #tpu.memory_space<hbm>> -> memref<64xf32, #tpu.memory_space<hbm>>
      %dma_start3A_346 = arith.constant 0 : i32
      %dma_start3A_347 = tpu.memref_slice %arg2[%sub3A_341, %dma_start3A_346] : memref<1000x64xf32, #tpu.memory_space<hbm>> -> memref<1x64xf32, #tpu.memory_space<hbm>>
      %dma_start3A_348 = tpu.memref_squeeze %dma_start3A_347 : memref<1x64xf32, #tpu.memory_space<hbm>> -> memref<64xf32, #tpu.memory_space<hbm>>
      tpu.enqueue_dma source(%dma_start3A_348 : memref<64xf32, #tpu.memory_space<hbm>>) target(%dma_start3A_345 : memref<64xf32, #tpu.memory_space<hbm>>) target_semaphore(%arg5 : memref<!tpu.dma_semaphore, #tpu.memory_space<semaphore_mem>>)
      %get3A_349 = arith.constant 26 : i32
      %get3A_350 = arith.index_cast %get3A_349 : i32 to index
      %get3A_351 = memref.load %arg4[%get3A_350] : memref<64xi32, #tpu.memory_space<smem>>
      %get3A_352 = arith.constant 25 : i32
      %get3A_353 = arith.index_cast %get3A_352 : i32 to index
      %get3A_354 = memref.load %arg4[%get3A_353] : memref<64xi32, #tpu.memory_space<smem>>
      %sub3A_355 = arith.subi %get3A_351, %get3A_354 : i32
      %dma_start3A_356 = arith.constant 25 : i32
      %dma_start3A_357 = arith.constant 0 : i32
      %dma_start3A_358 = tpu.memref_slice %arg3[%dma_start3A_356, %dma_start3A_357] : memref<63x64xf32, #tpu.memory_space<hbm>> -> memref<1x64xf32, #tpu.memory_space<hbm>>
      %dma_start3A_359 = tpu.memref_squeeze %dma_start3A_358 : memref<1x64xf32, #tpu.memory_space<hbm>> -> memref<64xf32, #tpu.memory_space<hbm>>
      %dma_start3A_360 = arith.constant 0 : i32
      %dma_start3A_361 = tpu.memref_slice %arg2[%sub3A_355, %dma_start3A_360] : memref<1000x64xf32, #tpu.memory_space<hbm>> -> memref<1x64xf32, #tpu.memory_space<hbm>>
      %dma_start3A_362 = tpu.memref_squeeze %dma_start3A_361 : memref<1x64xf32, #tpu.memory_space<hbm>> -> memref<64xf32, #tpu.memory_space<hbm>>
      tpu.enqueue_dma source(%dma_start3A_362 : memref<64xf32, #tpu.memory_space<hbm>>) target(%dma_start3A_359 : memref<64xf32, #tpu.memory_space<hbm>>) target_semaphore(%arg5 : memref<!tpu.dma_semaphore, #tpu.memory_space<semaphore_mem>>)
      %get3A_363 = arith.constant 27 : i32
      %get3A_364 = arith.index_cast %get3A_363 : i32 to index
      %get3A_365 = memref.load %arg4[%get3A_364] : memref<64xi32, #tpu.memory_space<smem>>
      %get3A_366 = arith.constant 26 : i32
      %get3A_367 = arith.index_cast %get3A_366 : i32 to index
      %get3A_368 = memref.load %arg4[%get3A_367] : memref<64xi32, #tpu.memory_space<smem>>
      %sub3A_369 = arith.subi %get3A_365, %get3A_368 : i32
      %dma_start3A_370 = arith.constant 26 : i32
      %dma_start3A_371 = arith.constant 0 : i32
      %dma_start3A_372 = tpu.memref_slice %arg3[%dma_start3A_370, %dma_start3A_371] : memref<63x64xf32, #tpu.memory_space<hbm>> -> memref<1x64xf32, #tpu.memory_space<hbm>>
      %dma_start3A_373 = tpu.memref_squeeze %dma_start3A_372 : memref<1x64xf32, #tpu.memory_space<hbm>> -> memref<64xf32, #tpu.memory_space<hbm>>
      %dma_start3A_374 = arith.constant 0 : i32
      %dma_start3A_375 = tpu.memref_slice %arg2[%sub3A_369, %dma_start3A_374] : memref<1000x64xf32, #tpu.memory_space<hbm>> -> memref<1x64xf32, #tpu.memory_space<hbm>>
      %dma_start3A_376 = tpu.memref_squeeze %dma_start3A_375 : memref<1x64xf32, #tpu.memory_space<hbm>> -> memref<64xf32, #tpu.memory_space<hbm>>
      tpu.enqueue_dma source(%dma_start3A_376 : memref<64xf32, #tpu.memory_space<hbm>>) target(%dma_start3A_373 : memref<64xf32, #tpu.memory_space<hbm>>) target_semaphore(%arg5 : memref<!tpu.dma_semaphore, #tpu.memory_space<semaphore_mem>>)
      %get3A_377 = arith.constant 28 : i32
      %get3A_378 = arith.index_cast %get3A_377 : i32 to index
      %get3A_379 = memref.load %arg4[%get3A_378] : memref<64xi32, #tpu.memory_space<smem>>
      %get3A_380 = arith.constant 27 : i32
      %get3A_381 = arith.index_cast %get3A_380 : i32 to index
      %get3A_382 = memref.load %arg4[%get3A_381] : memref<64xi32, #tpu.memory_space<smem>>
      %sub3A_383 = arith.subi %get3A_379, %get3A_382 : i32
      %dma_start3A_384 = arith.constant 27 : i32
      %dma_start3A_385 = arith.constant 0 : i32
      %dma_start3A_386 = tpu.memref_slice %arg3[%dma_start3A_384, %dma_start3A_385] : memref<63x64xf32, #tpu.memory_space<hbm>> -> memref<1x64xf32, #tpu.memory_space<hbm>>
      %dma_start3A_387 = tpu.memref_squeeze %dma_start3A_386 : memref<1x64xf32, #tpu.memory_space<hbm>> -> memref<64xf32, #tpu.memory_space<hbm>>
      %dma_start3A_388 = arith.constant 0 : i32
      %dma_start3A_389 = tpu.memref_slice %arg2[%sub3A_383, %dma_start3A_388] : memref<1000x64xf32, #tpu.memory_space<hbm>> -> memref<1x64xf32, #tpu.memory_space<hbm>>
      %dma_start3A_390 = tpu.memref_squeeze %dma_start3A_389 : memref<1x64xf32, #tpu.memory_space<hbm>> -> memref<64xf32, #tpu.memory_space<hbm>>
      tpu.enqueue_dma source(%dma_start3A_390 : memref<64xf32, #tpu.memory_space<hbm>>) target(%dma_start3A_387 : memref<64xf32, #tpu.memory_space<hbm>>) target_semaphore(%arg5 : memref<!tpu.dma_semaphore, #tpu.memory_space<semaphore_mem>>)
      %get3A_391 = arith.constant 29 : i32
      %get3A_392 = arith.index_cast %get3A_391 : i32 to index
      %get3A_393 = memref.load %arg4[%get3A_392] : memref<64xi32, #tpu.memory_space<smem>>
      %get3A_394 = arith.constant 28 : i32
      %get3A_395 = arith.index_cast %get3A_394 : i32 to index
      %get3A_396 = memref.load %arg4[%get3A_395] : memref<64xi32, #tpu.memory_space<smem>>
      %sub3A_397 = arith.subi %get3A_393, %get3A_396 : i32
      %dma_start3A_398 = arith.constant 28 : i32
      %dma_start3A_399 = arith.constant 0 : i32
      %dma_start3A_400 = tpu.memref_slice %arg3[%dma_start3A_398, %dma_start3A_399] : memref<63x64xf32, #tpu.memory_space<hbm>> -> memref<1x64xf32, #tpu.memory_space<hbm>>
      %dma_start3A_401 = tpu.memref_squeeze %dma_start3A_400 : memref<1x64xf32, #tpu.memory_space<hbm>> -> memref<64xf32, #tpu.memory_space<hbm>>
      %dma_start3A_402 = arith.constant 0 : i32
      %dma_start3A_403 = tpu.memref_slice %arg2[%sub3A_397, %dma_start3A_402] : memref<1000x64xf32, #tpu.memory_space<hbm>> -> memref<1x64xf32, #tpu.memory_space<hbm>>
      %dma_start3A_404 = tpu.memref_squeeze %dma_start3A_403 : memref<1x64xf32, #tpu.memory_space<hbm>> -> memref<64xf32, #tpu.memory_space<hbm>>
      tpu.enqueue_dma source(%dma_start3A_404 : memref<64xf32, #tpu.memory_space<hbm>>) target(%dma_start3A_401 : memref<64xf32, #tpu.memory_space<hbm>>) target_semaphore(%arg5 : memref<!tpu.dma_semaphore, #tpu.memory_space<semaphore_mem>>)
      %get3A_405 = arith.constant 30 : i32
      %get3A_406 = arith.index_cast %get3A_405 : i32 to index
      %get3A_407 = memref.load %arg4[%get3A_406] : memref<64xi32, #tpu.memory_space<smem>>
      %get3A_408 = arith.constant 29 : i32
      %get3A_409 = arith.index_cast %get3A_408 : i32 to index
      %get3A_410 = memref.load %arg4[%get3A_409] : memref<64xi32, #tpu.memory_space<smem>>
      %sub3A_411 = arith.subi %get3A_407, %get3A_410 : i32
      %dma_start3A_412 = arith.constant 29 : i32
      %dma_start3A_413 = arith.constant 0 : i32
      %dma_start3A_414 = tpu.memref_slice %arg3[%dma_start3A_412, %dma_start3A_413] : memref<63x64xf32, #tpu.memory_space<hbm>> -> memref<1x64xf32, #tpu.memory_space<hbm>>
      %dma_start3A_415 = tpu.memref_squeeze %dma_start3A_414 : memref<1x64xf32, #tpu.memory_space<hbm>> -> memref<64xf32, #tpu.memory_space<hbm>>
      %dma_start3A_416 = arith.constant 0 : i32
      %dma_start3A_417 = tpu.memref_slice %arg2[%sub3A_411, %dma_start3A_416] : memref<1000x64xf32, #tpu.memory_space<hbm>> -> memref<1x64xf32, #tpu.memory_space<hbm>>
      %dma_start3A_418 = tpu.memref_squeeze %dma_start3A_417 : memref<1x64xf32, #tpu.memory_space<hbm>> -> memref<64xf32, #tpu.memory_space<hbm>>
      tpu.enqueue_dma source(%dma_start3A_418 : memref<64xf32, #tpu.memory_space<hbm>>) target(%dma_start3A_415 : memref<64xf32, #tpu.memory_space<hbm>>) target_semaphore(%arg5 : memref<!tpu.dma_semaphore, #tpu.memory_space<semaphore_mem>>)
      %get3A_419 = arith.constant 31 : i32
      %get3A_420 = arith.index_cast %get3A_419 : i32 to index
      %get3A_421 = memref.load %arg4[%get3A_420] : memref<64xi32, #tpu.memory_space<smem>>
      %get3A_422 = arith.constant 30 : i32
      %get3A_423 = arith.index_cast %get3A_422 : i32 to index
      %get3A_424 = memref.load %arg4[%get3A_423] : memref<64xi32, #tpu.memory_space<smem>>
      %sub3A_425 = arith.subi %get3A_421, %get3A_424 : i32
      %dma_start3A_426 = arith.constant 30 : i32
      %dma_start3A_427 = arith.constant 0 : i32
      %dma_start3A_428 = tpu.memref_slice %arg3[%dma_start3A_426, %dma_start3A_427] : memref<63x64xf32, #tpu.memory_space<hbm>> -> memref<1x64xf32, #tpu.memory_space<hbm>>
      %dma_start3A_429 = tpu.memref_squeeze %dma_start3A_428 : memref<1x64xf32, #tpu.memory_space<hbm>> -> memref<64xf32, #tpu.memory_space<hbm>>
      %dma_start3A_430 = arith.constant 0 : i32
      %dma_start3A_431 = tpu.memref_slice %arg2[%sub3A_425, %dma_start3A_430] : memref<1000x64xf32, #tpu.memory_space<hbm>> -> memref<1x64xf32, #tpu.memory_space<hbm>>
      %dma_start3A_432 = tpu.memref_squeeze %dma_start3A_431 : memref<1x64xf32, #tpu.memory_space<hbm>> -> memref<64xf32, #tpu.memory_space<hbm>>
      tpu.enqueue_dma source(%dma_start3A_432 : memref<64xf32, #tpu.memory_space<hbm>>) target(%dma_start3A_429 : memref<64xf32, #tpu.memory_space<hbm>>) target_semaphore(%arg5 : memref<!tpu.dma_semaphore, #tpu.memory_space<semaphore_mem>>)
      %get3A_433 = arith.constant 32 : i32
      %get3A_434 = arith.index_cast %get3A_433 : i32 to index
      %get3A_435 = memref.load %arg4[%get3A_434] : memref<64xi32, #tpu.memory_space<smem>>
      %get3A_436 = arith.constant 31 : i32
      %get3A_437 = arith.index_cast %get3A_436 : i32 to index
      %get3A_438 = memref.load %arg4[%get3A_437] : memref<64xi32, #tpu.memory_space<smem>>
      %sub3A_439 = arith.subi %get3A_435, %get3A_438 : i32
      %dma_start3A_440 = arith.constant 31 : i32
      %dma_start3A_441 = arith.constant 0 : i32
      %dma_start3A_442 = tpu.memref_slice %arg3[%dma_start3A_440, %dma_start3A_441] : memref<63x64xf32, #tpu.memory_space<hbm>> -> memref<1x64xf32, #tpu.memory_space<hbm>>
      %dma_start3A_443 = tpu.memref_squeeze %dma_start3A_442 : memref<1x64xf32, #tpu.memory_space<hbm>> -> memref<64xf32, #tpu.memory_space<hbm>>
      %dma_start3A_444 = arith.constant 0 : i32
      %dma_start3A_445 = tpu.memref_slice %arg2[%sub3A_439, %dma_start3A_444] : memref<1000x64xf32, #tpu.memory_space<hbm>> -> memref<1x64xf32, #tpu.memory_space<hbm>>
      %dma_start3A_446 = tpu.memref_squeeze %dma_start3A_445 : memref<1x64xf32, #tpu.memory_space<hbm>> -> memref<64xf32, #tpu.memory_space<hbm>>
      tpu.enqueue_dma source(%dma_start3A_446 : memref<64xf32, #tpu.memory_space<hbm>>) target(%dma_start3A_443 : memref<64xf32, #tpu.memory_space<hbm>>) target_semaphore(%arg5 : memref<!tpu.dma_semaphore, #tpu.memory_space<semaphore_mem>>)
      %get3A_447 = arith.constant 33 : i32
      %get3A_448 = arith.index_cast %get3A_447 : i32 to index
      %get3A_449 = memref.load %arg4[%get3A_448] : memref<64xi32, #tpu.memory_space<smem>>
      %get3A_450 = arith.constant 32 : i32
      %get3A_451 = arith.index_cast %get3A_450 : i32 to index
      %get3A_452 = memref.load %arg4[%get3A_451] : memref<64xi32, #tpu.memory_space<smem>>
      %sub3A_453 = arith.subi %get3A_449, %get3A_452 : i32
      %dma_start3A_454 = arith.constant 32 : i32
      %dma_start3A_455 = arith.constant 0 : i32
      %dma_start3A_456 = tpu.memref_slice %arg3[%dma_start3A_454, %dma_start3A_455] : memref<63x64xf32, #tpu.memory_space<hbm>> -> memref<1x64xf32, #tpu.memory_space<hbm>>
      %dma_start3A_457 = tpu.memref_squeeze %dma_start3A_456 : memref<1x64xf32, #tpu.memory_space<hbm>> -> memref<64xf32, #tpu.memory_space<hbm>>
      %dma_start3A_458 = arith.constant 0 : i32
      %dma_start3A_459 = tpu.memref_slice %arg2[%sub3A_453, %dma_start3A_458] : memref<1000x64xf32, #tpu.memory_space<hbm>> -> memref<1x64xf32, #tpu.memory_space<hbm>>
      %dma_start3A_460 = tpu.memref_squeeze %dma_start3A_459 : memref<1x64xf32, #tpu.memory_space<hbm>> -> memref<64xf32, #tpu.memory_space<hbm>>
      tpu.enqueue_dma source(%dma_start3A_460 : memref<64xf32, #tpu.memory_space<hbm>>) target(%dma_start3A_457 : memref<64xf32, #tpu.memory_space<hbm>>) target_semaphore(%arg5 : memref<!tpu.dma_semaphore, #tpu.memory_space<semaphore_mem>>)
      %get3A_461 = arith.constant 34 : i32
      %get3A_462 = arith.index_cast %get3A_461 : i32 to index
      %get3A_463 = memref.load %arg4[%get3A_462] : memref<64xi32, #tpu.memory_space<smem>>
      %get3A_464 = arith.constant 33 : i32
      %get3A_465 = arith.index_cast %get3A_464 : i32 to index
      %get3A_466 = memref.load %arg4[%get3A_465] : memref<64xi32, #tpu.memory_space<smem>>
      %sub3A_467 = arith.subi %get3A_463, %get3A_466 : i32
      %dma_start3A_468 = arith.constant 33 : i32
      %dma_start3A_469 = arith.constant 0 : i32
      %dma_start3A_470 = tpu.memref_slice %arg3[%dma_start3A_468, %dma_start3A_469] : memref<63x64xf32, #tpu.memory_space<hbm>> -> memref<1x64xf32, #tpu.memory_space<hbm>>
      %dma_start3A_471 = tpu.memref_squeeze %dma_start3A_470 : memref<1x64xf32, #tpu.memory_space<hbm>> -> memref<64xf32, #tpu.memory_space<hbm>>
      %dma_start3A_472 = arith.constant 0 : i32
      %dma_start3A_473 = tpu.memref_slice %arg2[%sub3A_467, %dma_start3A_472] : memref<1000x64xf32, #tpu.memory_space<hbm>> -> memref<1x64xf32, #tpu.memory_space<hbm>>
      %dma_start3A_474 = tpu.memref_squeeze %dma_start3A_473 : memref<1x64xf32, #tpu.memory_space<hbm>> -> memref<64xf32, #tpu.memory_space<hbm>>
      tpu.enqueue_dma source(%dma_start3A_474 : memref<64xf32, #tpu.memory_space<hbm>>) target(%dma_start3A_471 : memref<64xf32, #tpu.memory_space<hbm>>) target_semaphore(%arg5 : memref<!tpu.dma_semaphore, #tpu.memory_space<semaphore_mem>>)
      %get3A_475 = arith.constant 35 : i32
      %get3A_476 = arith.index_cast %get3A_475 : i32 to index
      %get3A_477 = memref.load %arg4[%get3A_476] : memref<64xi32, #tpu.memory_space<smem>>
      %get3A_478 = arith.constant 34 : i32
      %get3A_479 = arith.index_cast %get3A_478 : i32 to index
      %get3A_480 = memref.load %arg4[%get3A_479] : memref<64xi32, #tpu.memory_space<smem>>
      %sub3A_481 = arith.subi %get3A_477, %get3A_480 : i32
      %dma_start3A_482 = arith.constant 34 : i32
      %dma_start3A_483 = arith.constant 0 : i32
      %dma_start3A_484 = tpu.memref_slice %arg3[%dma_start3A_482, %dma_start3A_483] : memref<63x64xf32, #tpu.memory_space<hbm>> -> memref<1x64xf32, #tpu.memory_space<hbm>>
      %dma_start3A_485 = tpu.memref_squeeze %dma_start3A_484 : memref<1x64xf32, #tpu.memory_space<hbm>> -> memref<64xf32, #tpu.memory_space<hbm>>
      %dma_start3A_486 = arith.constant 0 : i32
      %dma_start3A_487 = tpu.memref_slice %arg2[%sub3A_481, %dma_start3A_486] : memref<1000x64xf32, #tpu.memory_space<hbm>> -> memref<1x64xf32, #tpu.memory_space<hbm>>
      %dma_start3A_488 = tpu.memref_squeeze %dma_start3A_487 : memref<1x64xf32, #tpu.memory_space<hbm>> -> memref<64xf32, #tpu.memory_space<hbm>>
      tpu.enqueue_dma source(%dma_start3A_488 : memref<64xf32, #tpu.memory_space<hbm>>) target(%dma_start3A_485 : memref<64xf32, #tpu.memory_space<hbm>>) target_semaphore(%arg5 : memref<!tpu.dma_semaphore, #tpu.memory_space<semaphore_mem>>)
      %get3A_489 = arith.constant 36 : i32
      %get3A_490 = arith.index_cast %get3A_489 : i32 to index
      %get3A_491 = memref.load %arg4[%get3A_490] : memref<64xi32, #tpu.memory_space<smem>>
      %get3A_492 = arith.constant 35 : i32
      %get3A_493 = arith.index_cast %get3A_492 : i32 to index
      %get3A_494 = memref.load %arg4[%get3A_493] : memref<64xi32, #tpu.memory_space<smem>>
      %sub3A_495 = arith.subi %get3A_491, %get3A_494 : i32
      %dma_start3A_496 = arith.constant 35 : i32
      %dma_start3A_497 = arith.constant 0 : i32
      %dma_start3A_498 = tpu.memref_slice %arg3[%dma_start3A_496, %dma_start3A_497] : memref<63x64xf32, #tpu.memory_space<hbm>> -> memref<1x64xf32, #tpu.memory_space<hbm>>
      %dma_start3A_499 = tpu.memref_squeeze %dma_start3A_498 : memref<1x64xf32, #tpu.memory_space<hbm>> -> memref<64xf32, #tpu.memory_space<hbm>>
      %dma_start3A_500 = arith.constant 0 : i32
      %dma_start3A_501 = tpu.memref_slice %arg2[%sub3A_495, %dma_start3A_500] : memref<1000x64xf32, #tpu.memory_space<hbm>> -> memref<1x64xf32, #tpu.memory_space<hbm>>
      %dma_start3A_502 = tpu.memref_squeeze %dma_start3A_501 : memref<1x64xf32, #tpu.memory_space<hbm>> -> memref<64xf32, #tpu.memory_space<hbm>>
      tpu.enqueue_dma source(%dma_start3A_502 : memref<64xf32, #tpu.memory_space<hbm>>) target(%dma_start3A_499 : memref<64xf32, #tpu.memory_space<hbm>>) target_semaphore(%arg5 : memref<!tpu.dma_semaphore, #tpu.memory_space<semaphore_mem>>)
      %get3A_503 = arith.constant 37 : i32
      %get3A_504 = arith.index_cast %get3A_503 : i32 to index
      %get3A_505 = memref.load %arg4[%get3A_504] : memref<64xi32, #tpu.memory_space<smem>>
      %get3A_506 = arith.constant 36 : i32
      %get3A_507 = arith.index_cast %get3A_506 : i32 to index
      %get3A_508 = memref.load %arg4[%get3A_507] : memref<64xi32, #tpu.memory_space<smem>>
      %sub3A_509 = arith.subi %get3A_505, %get3A_508 : i32
      %dma_start3A_510 = arith.constant 36 : i32
      %dma_start3A_511 = arith.constant 0 : i32
      %dma_start3A_512 = tpu.memref_slice %arg3[%dma_start3A_510, %dma_start3A_511] : memref<63x64xf32, #tpu.memory_space<hbm>> -> memref<1x64xf32, #tpu.memory_space<hbm>>
      %dma_start3A_513 = tpu.memref_squeeze %dma_start3A_512 : memref<1x64xf32, #tpu.memory_space<hbm>> -> memref<64xf32, #tpu.memory_space<hbm>>
      %dma_start3A_514 = arith.constant 0 : i32
      %dma_start3A_515 = tpu.memref_slice %arg2[%sub3A_509, %dma_start3A_514] : memref<1000x64xf32, #tpu.memory_space<hbm>> -> memref<1x64xf32, #tpu.memory_space<hbm>>
      %dma_start3A_516 = tpu.memref_squeeze %dma_start3A_515 : memref<1x64xf32, #tpu.memory_space<hbm>> -> memref<64xf32, #tpu.memory_space<hbm>>
      tpu.enqueue_dma source(%dma_start3A_516 : memref<64xf32, #tpu.memory_space<hbm>>) target(%dma_start3A_513 : memref<64xf32, #tpu.memory_space<hbm>>) target_semaphore(%arg5 : memref<!tpu.dma_semaphore, #tpu.memory_space<semaphore_mem>>)
      %get3A_517 = arith.constant 38 : i32
      %get3A_518 = arith.index_cast %get3A_517 : i32 to index
      %get3A_519 = memref.load %arg4[%get3A_518] : memref<64xi32, #tpu.memory_space<smem>>
      %get3A_520 = arith.constant 37 : i32
      %get3A_521 = arith.index_cast %get3A_520 : i32 to index
      %get3A_522 = memref.load %arg4[%get3A_521] : memref<64xi32, #tpu.memory_space<smem>>
      %sub3A_523 = arith.subi %get3A_519, %get3A_522 : i32
      %dma_start3A_524 = arith.constant 37 : i32
      %dma_start3A_525 = arith.constant 0 : i32
      %dma_start3A_526 = tpu.memref_slice %arg3[%dma_start3A_524, %dma_start3A_525] : memref<63x64xf32, #tpu.memory_space<hbm>> -> memref<1x64xf32, #tpu.memory_space<hbm>>
      %dma_start3A_527 = tpu.memref_squeeze %dma_start3A_526 : memref<1x64xf32, #tpu.memory_space<hbm>> -> memref<64xf32, #tpu.memory_space<hbm>>
      %dma_start3A_528 = arith.constant 0 : i32
      %dma_start3A_529 = tpu.memref_slice %arg2[%sub3A_523, %dma_start3A_528] : memref<1000x64xf32, #tpu.memory_space<hbm>> -> memref<1x64xf32, #tpu.memory_space<hbm>>
      %dma_start3A_530 = tpu.memref_squeeze %dma_start3A_529 : memref<1x64xf32, #tpu.memory_space<hbm>> -> memref<64xf32, #tpu.memory_space<hbm>>
      tpu.enqueue_dma source(%dma_start3A_530 : memref<64xf32, #tpu.memory_space<hbm>>) target(%dma_start3A_527 : memref<64xf32, #tpu.memory_space<hbm>>) target_semaphore(%arg5 : memref<!tpu.dma_semaphore, #tpu.memory_space<semaphore_mem>>)
      %get3A_531 = arith.constant 39 : i32
      %get3A_532 = arith.index_cast %get3A_531 : i32 to index
      %get3A_533 = memref.load %arg4[%get3A_532] : memref<64xi32, #tpu.memory_space<smem>>
      %get3A_534 = arith.constant 38 : i32
      %get3A_535 = arith.index_cast %get3A_534 : i32 to index
      %get3A_536 = memref.load %arg4[%get3A_535] : memref<64xi32, #tpu.memory_space<smem>>
      %sub3A_537 = arith.subi %get3A_533, %get3A_536 : i32
      %dma_start3A_538 = arith.constant 38 : i32
      %dma_start3A_539 = arith.constant 0 : i32
      %dma_start3A_540 = tpu.memref_slice %arg3[%dma_start3A_538, %dma_start3A_539] : memref<63x64xf32, #tpu.memory_space<hbm>> -> memref<1x64xf32, #tpu.memory_space<hbm>>
      %dma_start3A_541 = tpu.memref_squeeze %dma_start3A_540 : memref<1x64xf32, #tpu.memory_space<hbm>> -> memref<64xf32, #tpu.memory_space<hbm>>
      %dma_start3A_542 = arith.constant 0 : i32
      %dma_start3A_543 = tpu.memref_slice %arg2[%sub3A_537, %dma_start3A_542] : memref<1000x64xf32, #tpu.memory_space<hbm>> -> memref<1x64xf32, #tpu.memory_space<hbm>>
      %dma_start3A_544 = tpu.memref_squeeze %dma_start3A_543 : memref<1x64xf32, #tpu.memory_space<hbm>> -> memref<64xf32, #tpu.memory_space<hbm>>
      tpu.enqueue_dma source(%dma_start3A_544 : memref<64xf32, #tpu.memory_space<hbm>>) target(%dma_start3A_541 : memref<64xf32, #tpu.memory_space<hbm>>) target_semaphore(%arg5 : memref<!tpu.dma_semaphore, #tpu.memory_space<semaphore_mem>>)
      %get3A_545 = arith.constant 40 : i32
      %get3A_546 = arith.index_cast %get3A_545 : i32 to index
      %get3A_547 = memref.load %arg4[%get3A_546] : memref<64xi32, #tpu.memory_space<smem>>
      %get3A_548 = arith.constant 39 : i32
      %get3A_549 = arith.index_cast %get3A_548 : i32 to index
      %get3A_550 = memref.load %arg4[%get3A_549] : memref<64xi32, #tpu.memory_space<smem>>
      %sub3A_551 = arith.subi %get3A_547, %get3A_550 : i32
      %dma_start3A_552 = arith.constant 39 : i32
      %dma_start3A_553 = arith.constant 0 : i32
      %dma_start3A_554 = tpu.memref_slice %arg3[%dma_start3A_552, %dma_start3A_553] : memref<63x64xf32, #tpu.memory_space<hbm>> -> memref<1x64xf32, #tpu.memory_space<hbm>>
      %dma_start3A_555 = tpu.memref_squeeze %dma_start3A_554 : memref<1x64xf32, #tpu.memory_space<hbm>> -> memref<64xf32, #tpu.memory_space<hbm>>
      %dma_start3A_556 = arith.constant 0 : i32
      %dma_start3A_557 = tpu.memref_slice %arg2[%sub3A_551, %dma_start3A_556] : memref<1000x64xf32, #tpu.memory_space<hbm>> -> memref<1x64xf32, #tpu.memory_space<hbm>>
      %dma_start3A_558 = tpu.memref_squeeze %dma_start3A_557 : memref<1x64xf32, #tpu.memory_space<hbm>> -> memref<64xf32, #tpu.memory_space<hbm>>
      tpu.enqueue_dma source(%dma_start3A_558 : memref<64xf32, #tpu.memory_space<hbm>>) target(%dma_start3A_555 : memref<64xf32, #tpu.memory_space<hbm>>) target_semaphore(%arg5 : memref<!tpu.dma_semaphore, #tpu.memory_space<semaphore_mem>>)
      %get3A_559 = arith.constant 41 : i32
      %get3A_560 = arith.index_cast %get3A_559 : i32 to index
      %get3A_561 = memref.load %arg4[%get3A_560] : memref<64xi32, #tpu.memory_space<smem>>
      %get3A_562 = arith.constant 40 : i32
      %get3A_563 = arith.index_cast %get3A_562 : i32 to index
      %get3A_564 = memref.load %arg4[%get3A_563] : memref<64xi32, #tpu.memory_space<smem>>
      %sub3A_565 = arith.subi %get3A_561, %get3A_564 : i32
      %dma_start3A_566 = arith.constant 40 : i32
      %dma_start3A_567 = arith.constant 0 : i32
      %dma_start3A_568 = tpu.memref_slice %arg3[%dma_start3A_566, %dma_start3A_567] : memref<63x64xf32, #tpu.memory_space<hbm>> -> memref<1x64xf32, #tpu.memory_space<hbm>>
      %dma_start3A_569 = tpu.memref_squeeze %dma_start3A_568 : memref<1x64xf32, #tpu.memory_space<hbm>> -> memref<64xf32, #tpu.memory_space<hbm>>
      %dma_start3A_570 = arith.constant 0 : i32
      %dma_start3A_571 = tpu.memref_slice %arg2[%sub3A_565, %dma_start3A_570] : memref<1000x64xf32, #tpu.memory_space<hbm>> -> memref<1x64xf32, #tpu.memory_space<hbm>>
      %dma_start3A_572 = tpu.memref_squeeze %dma_start3A_571 : memref<1x64xf32, #tpu.memory_space<hbm>> -> memref<64xf32, #tpu.memory_space<hbm>>
      tpu.enqueue_dma source(%dma_start3A_572 : memref<64xf32, #tpu.memory_space<hbm>>) target(%dma_start3A_569 : memref<64xf32, #tpu.memory_space<hbm>>) target_semaphore(%arg5 : memref<!tpu.dma_semaphore, #tpu.memory_space<semaphore_mem>>)
      %get3A_573 = arith.constant 42 : i32
      %get3A_574 = arith.index_cast %get3A_573 : i32 to index
      %get3A_575 = memref.load %arg4[%get3A_574] : memref<64xi32, #tpu.memory_space<smem>>
      %get3A_576 = arith.constant 41 : i32
      %get3A_577 = arith.index_cast %get3A_576 : i32 to index
      %get3A_578 = memref.load %arg4[%get3A_577] : memref<64xi32, #tpu.memory_space<smem>>
      %sub3A_579 = arith.subi %get3A_575, %get3A_578 : i32
      %dma_start3A_580 = arith.constant 41 : i32
      %dma_start3A_581 = arith.constant 0 : i32
      %dma_start3A_582 = tpu.memref_slice %arg3[%dma_start3A_580, %dma_start3A_581] : memref<63x64xf32, #tpu.memory_space<hbm>> -> memref<1x64xf32, #tpu.memory_space<hbm>>
      %dma_start3A_583 = tpu.memref_squeeze %dma_start3A_582 : memref<1x64xf32, #tpu.memory_space<hbm>> -> memref<64xf32, #tpu.memory_space<hbm>>
      %dma_start3A_584 = arith.constant 0 : i32
      %dma_start3A_585 = tpu.memref_slice %arg2[%sub3A_579, %dma_start3A_584] : memref<1000x64xf32, #tpu.memory_space<hbm>> -> memref<1x64xf32, #tpu.memory_space<hbm>>
      %dma_start3A_586 = tpu.memref_squeeze %dma_start3A_585 : memref<1x64xf32, #tpu.memory_space<hbm>> -> memref<64xf32, #tpu.memory_space<hbm>>
      tpu.enqueue_dma source(%dma_start3A_586 : memref<64xf32, #tpu.memory_space<hbm>>) target(%dma_start3A_583 : memref<64xf32, #tpu.memory_space<hbm>>) target_semaphore(%arg5 : memref<!tpu.dma_semaphore, #tpu.memory_space<semaphore_mem>>)
      %get3A_587 = arith.constant 43 : i32
      %get3A_588 = arith.index_cast %get3A_587 : i32 to index
      %get3A_589 = memref.load %arg4[%get3A_588] : memref<64xi32, #tpu.memory_space<smem>>
      %get3A_590 = arith.constant 42 : i32
      %get3A_591 = arith.index_cast %get3A_590 : i32 to index
      %get3A_592 = memref.load %arg4[%get3A_591] : memref<64xi32, #tpu.memory_space<smem>>
      %sub3A_593 = arith.subi %get3A_589, %get3A_592 : i32
      %dma_start3A_594 = arith.constant 42 : i32
      %dma_start3A_595 = arith.constant 0 : i32
      %dma_start3A_596 = tpu.memref_slice %arg3[%dma_start3A_594, %dma_start3A_595] : memref<63x64xf32, #tpu.memory_space<hbm>> -> memref<1x64xf32, #tpu.memory_space<hbm>>
      %dma_start3A_597 = tpu.memref_squeeze %dma_start3A_596 : memref<1x64xf32, #tpu.memory_space<hbm>> -> memref<64xf32, #tpu.memory_space<hbm>>
      %dma_start3A_598 = arith.constant 0 : i32
      %dma_start3A_599 = tpu.memref_slice %arg2[%sub3A_593, %dma_start3A_598] : memref<1000x64xf32, #tpu.memory_space<hbm>> -> memref<1x64xf32, #tpu.memory_space<hbm>>
      %dma_start3A_600 = tpu.memref_squeeze %dma_start3A_599 : memref<1x64xf32, #tpu.memory_space<hbm>> -> memref<64xf32, #tpu.memory_space<hbm>>
      tpu.enqueue_dma source(%dma_start3A_600 : memref<64xf32, #tpu.memory_space<hbm>>) target(%dma_start3A_597 : memref<64xf32, #tpu.memory_space<hbm>>) target_semaphore(%arg5 : memref<!tpu.dma_semaphore, #tpu.memory_space<semaphore_mem>>)
      %get3A_601 = arith.constant 44 : i32
      %get3A_602 = arith.index_cast %get3A_601 : i32 to index
      %get3A_603 = memref.load %arg4[%get3A_602] : memref<64xi32, #tpu.memory_space<smem>>
      %get3A_604 = arith.constant 43 : i32
      %get3A_605 = arith.index_cast %get3A_604 : i32 to index
      %get3A_606 = memref.load %arg4[%get3A_605] : memref<64xi32, #tpu.memory_space<smem>>
      %sub3A_607 = arith.subi %get3A_603, %get3A_606 : i32
      %dma_start3A_608 = arith.constant 43 : i32
      %dma_start3A_609 = arith.constant 0 : i32
      %dma_start3A_610 = tpu.memref_slice %arg3[%dma_start3A_608, %dma_start3A_609] : memref<63x64xf32, #tpu.memory_space<hbm>> -> memref<1x64xf32, #tpu.memory_space<hbm>>
      %dma_start3A_611 = tpu.memref_squeeze %dma_start3A_610 : memref<1x64xf32, #tpu.memory_space<hbm>> -> memref<64xf32, #tpu.memory_space<hbm>>
      %dma_start3A_612 = arith.constant 0 : i32
      %dma_start3A_613 = tpu.memref_slice %arg2[%sub3A_607, %dma_start3A_612] : memref<1000x64xf32, #tpu.memory_space<hbm>> -> memref<1x64xf32, #tpu.memory_space<hbm>>
      %dma_start3A_614 = tpu.memref_squeeze %dma_start3A_613 : memref<1x64xf32, #tpu.memory_space<hbm>> -> memref<64xf32, #tpu.memory_space<hbm>>
      tpu.enqueue_dma source(%dma_start3A_614 : memref<64xf32, #tpu.memory_space<hbm>>) target(%dma_start3A_611 : memref<64xf32, #tpu.memory_space<hbm>>) target_semaphore(%arg5 : memref<!tpu.dma_semaphore, #tpu.memory_space<semaphore_mem>>)
      %get3A_615 = arith.constant 45 : i32
      %get3A_616 = arith.index_cast %get3A_615 : i32 to index
      %get3A_617 = memref.load %arg4[%get3A_616] : memref<64xi32, #tpu.memory_space<smem>>
      %get3A_618 = arith.constant 44 : i32
      %get3A_619 = arith.index_cast %get3A_618 : i32 to index
      %get3A_620 = memref.load %arg4[%get3A_619] : memref<64xi32, #tpu.memory_space<smem>>
      %sub3A_621 = arith.subi %get3A_617, %get3A_620 : i32
      %dma_start3A_622 = arith.constant 44 : i32
      %dma_start3A_623 = arith.constant 0 : i32
      %dma_start3A_624 = tpu.memref_slice %arg3[%dma_start3A_622, %dma_start3A_623] : memref<63x64xf32, #tpu.memory_space<hbm>> -> memref<1x64xf32, #tpu.memory_space<hbm>>
      %dma_start3A_625 = tpu.memref_squeeze %dma_start3A_624 : memref<1x64xf32, #tpu.memory_space<hbm>> -> memref<64xf32, #tpu.memory_space<hbm>>
      %dma_start3A_626 = arith.constant 0 : i32
      %dma_start3A_627 = tpu.memref_slice %arg2[%sub3A_621, %dma_start3A_626] : memref<1000x64xf32, #tpu.memory_space<hbm>> -> memref<1x64xf32, #tpu.memory_space<hbm>>
      %dma_start3A_628 = tpu.memref_squeeze %dma_start3A_627 : memref<1x64xf32, #tpu.memory_space<hbm>> -> memref<64xf32, #tpu.memory_space<hbm>>
      tpu.enqueue_dma source(%dma_start3A_628 : memref<64xf32, #tpu.memory_space<hbm>>) target(%dma_start3A_625 : memref<64xf32, #tpu.memory_space<hbm>>) target_semaphore(%arg5 : memref<!tpu.dma_semaphore, #tpu.memory_space<semaphore_mem>>)
      %get3A_629 = arith.constant 46 : i32
      %get3A_630 = arith.index_cast %get3A_629 : i32 to index
      %get3A_631 = memref.load %arg4[%get3A_630] : memref<64xi32, #tpu.memory_space<smem>>
      %get3A_632 = arith.constant 45 : i32
      %get3A_633 = arith.index_cast %get3A_632 : i32 to index
      %get3A_634 = memref.load %arg4[%get3A_633] : memref<64xi32, #tpu.memory_space<smem>>
      %sub3A_635 = arith.subi %get3A_631, %get3A_634 : i32
      %dma_start3A_636 = arith.constant 45 : i32
      %dma_start3A_637 = arith.constant 0 : i32
      %dma_start3A_638 = tpu.memref_slice %arg3[%dma_start3A_636, %dma_start3A_637] : memref<63x64xf32, #tpu.memory_space<hbm>> -> memref<1x64xf32, #tpu.memory_space<hbm>>
      %dma_start3A_639 = tpu.memref_squeeze %dma_start3A_638 : memref<1x64xf32, #tpu.memory_space<hbm>> -> memref<64xf32, #tpu.memory_space<hbm>>
      %dma_start3A_640 = arith.constant 0 : i32
      %dma_start3A_641 = tpu.memref_slice %arg2[%sub3A_635, %dma_start3A_640] : memref<1000x64xf32, #tpu.memory_space<hbm>> -> memref<1x64xf32, #tpu.memory_space<hbm>>
      %dma_start3A_642 = tpu.memref_squeeze %dma_start3A_641 : memref<1x64xf32, #tpu.memory_space<hbm>> -> memref<64xf32, #tpu.memory_space<hbm>>
      tpu.enqueue_dma source(%dma_start3A_642 : memref<64xf32, #tpu.memory_space<hbm>>) target(%dma_start3A_639 : memref<64xf32, #tpu.memory_space<hbm>>) target_semaphore(%arg5 : memref<!tpu.dma_semaphore, #tpu.memory_space<semaphore_mem>>)
      %get3A_643 = arith.constant 47 : i32
      %get3A_644 = arith.index_cast %get3A_643 : i32 to index
      %get3A_645 = memref.load %arg4[%get3A_644] : memref<64xi32, #tpu.memory_space<smem>>
      %get3A_646 = arith.constant 46 : i32
      %get3A_647 = arith.index_cast %get3A_646 : i32 to index
      %get3A_648 = memref.load %arg4[%get3A_647] : memref<64xi32, #tpu.memory_space<smem>>
      %sub3A_649 = arith.subi %get3A_645, %get3A_648 : i32
      %dma_start3A_650 = arith.constant 46 : i32
      %dma_start3A_651 = arith.constant 0 : i32
      %dma_start3A_652 = tpu.memref_slice %arg3[%dma_start3A_650, %dma_start3A_651] : memref<63x64xf32, #tpu.memory_space<hbm>> -> memref<1x64xf32, #tpu.memory_space<hbm>>
      %dma_start3A_653 = tpu.memref_squeeze %dma_start3A_652 : memref<1x64xf32, #tpu.memory_space<hbm>> -> memref<64xf32, #tpu.memory_space<hbm>>
      %dma_start3A_654 = arith.constant 0 : i32
      %dma_start3A_655 = tpu.memref_slice %arg2[%sub3A_649, %dma_start3A_654] : memref<1000x64xf32, #tpu.memory_space<hbm>> -> memref<1x64xf32, #tpu.memory_space<hbm>>
      %dma_start3A_656 = tpu.memref_squeeze %dma_start3A_655 : memref<1x64xf32, #tpu.memory_space<hbm>> -> memref<64xf32, #tpu.memory_space<hbm>>
      tpu.enqueue_dma source(%dma_start3A_656 : memref<64xf32, #tpu.memory_space<hbm>>) target(%dma_start3A_653 : memref<64xf32, #tpu.memory_space<hbm>>) target_semaphore(%arg5 : memref<!tpu.dma_semaphore, #tpu.memory_space<semaphore_mem>>)
      %get3A_657 = arith.constant 48 : i32
      %get3A_658 = arith.index_cast %get3A_657 : i32 to index
      %get3A_659 = memref.load %arg4[%get3A_658] : memref<64xi32, #tpu.memory_space<smem>>
      %get3A_660 = arith.constant 47 : i32
      %get3A_661 = arith.index_cast %get3A_660 : i32 to index
      %get3A_662 = memref.load %arg4[%get3A_661] : memref<64xi32, #tpu.memory_space<smem>>
      %sub3A_663 = arith.subi %get3A_659, %get3A_662 : i32
      %dma_start3A_664 = arith.constant 47 : i32
      %dma_start3A_665 = arith.constant 0 : i32
      %dma_start3A_666 = tpu.memref_slice %arg3[%dma_start3A_664, %dma_start3A_665] : memref<63x64xf32, #tpu.memory_space<hbm>> -> memref<1x64xf32, #tpu.memory_space<hbm>>
      %dma_start3A_667 = tpu.memref_squeeze %dma_start3A_666 : memref<1x64xf32, #tpu.memory_space<hbm>> -> memref<64xf32, #tpu.memory_space<hbm>>
      %dma_start3A_668 = arith.constant 0 : i32
      %dma_start3A_669 = tpu.memref_slice %arg2[%sub3A_663, %dma_start3A_668] : memref<1000x64xf32, #tpu.memory_space<hbm>> -> memref<1x64xf32, #tpu.memory_space<hbm>>
      %dma_start3A_670 = tpu.memref_squeeze %dma_start3A_669 : memref<1x64xf32, #tpu.memory_space<hbm>> -> memref<64xf32, #tpu.memory_space<hbm>>
      tpu.enqueue_dma source(%dma_start3A_670 : memref<64xf32, #tpu.memory_space<hbm>>) target(%dma_start3A_667 : memref<64xf32, #tpu.memory_space<hbm>>) target_semaphore(%arg5 : memref<!tpu.dma_semaphore, #tpu.memory_space<semaphore_mem>>)
      %get3A_671 = arith.constant 49 : i32
      %get3A_672 = arith.index_cast %get3A_671 : i32 to index
      %get3A_673 = memref.load %arg4[%get3A_672] : memref<64xi32, #tpu.memory_space<smem>>
      %get3A_674 = arith.constant 48 : i32
      %get3A_675 = arith.index_cast %get3A_674 : i32 to index
      %get3A_676 = memref.load %arg4[%get3A_675] : memref<64xi32, #tpu.memory_space<smem>>
      %sub3A_677 = arith.subi %get3A_673, %get3A_676 : i32
      %dma_start3A_678 = arith.constant 48 : i32
      %dma_start3A_679 = arith.constant 0 : i32
      %dma_start3A_680 = tpu.memref_slice %arg3[%dma_start3A_678, %dma_start3A_679] : memref<63x64xf32, #tpu.memory_space<hbm>> -> memref<1x64xf32, #tpu.memory_space<hbm>>
      %dma_start3A_681 = tpu.memref_squeeze %dma_start3A_680 : memref<1x64xf32, #tpu.memory_space<hbm>> -> memref<64xf32, #tpu.memory_space<hbm>>
      %dma_start3A_682 = arith.constant 0 : i32
      %dma_start3A_683 = tpu.memref_slice %arg2[%sub3A_677, %dma_start3A_682] : memref<1000x64xf32, #tpu.memory_space<hbm>> -> memref<1x64xf32, #tpu.memory_space<hbm>>
      %dma_start3A_684 = tpu.memref_squeeze %dma_start3A_683 : memref<1x64xf32, #tpu.memory_space<hbm>> -> memref<64xf32, #tpu.memory_space<hbm>>
      tpu.enqueue_dma source(%dma_start3A_684 : memref<64xf32, #tpu.memory_space<hbm>>) target(%dma_start3A_681 : memref<64xf32, #tpu.memory_space<hbm>>) target_semaphore(%arg5 : memref<!tpu.dma_semaphore, #tpu.memory_space<semaphore_mem>>)
      %get3A_685 = arith.constant 50 : i32
      %get3A_686 = arith.index_cast %get3A_685 : i32 to index
      %get3A_687 = memref.load %arg4[%get3A_686] : memref<64xi32, #tpu.memory_space<smem>>
      %get3A_688 = arith.constant 49 : i32
      %get3A_689 = arith.index_cast %get3A_688 : i32 to index
      %get3A_690 = memref.load %arg4[%get3A_689] : memref<64xi32, #tpu.memory_space<smem>>
      %sub3A_691 = arith.subi %get3A_687, %get3A_690 : i32
      %dma_start3A_692 = arith.constant 49 : i32
      %dma_start3A_693 = arith.constant 0 : i32
      %dma_start3A_694 = tpu.memref_slice %arg3[%dma_start3A_692, %dma_start3A_693] : memref<63x64xf32, #tpu.memory_space<hbm>> -> memref<1x64xf32, #tpu.memory_space<hbm>>
      %dma_start3A_695 = tpu.memref_squeeze %dma_start3A_694 : memref<1x64xf32, #tpu.memory_space<hbm>> -> memref<64xf32, #tpu.memory_space<hbm>>
      %dma_start3A_696 = arith.constant 0 : i32
      %dma_start3A_697 = tpu.memref_slice %arg2[%sub3A_691, %dma_start3A_696] : memref<1000x64xf32, #tpu.memory_space<hbm>> -> memref<1x64xf32, #tpu.memory_space<hbm>>
      %dma_start3A_698 = tpu.memref_squeeze %dma_start3A_697 : memref<1x64xf32, #tpu.memory_space<hbm>> -> memref<64xf32, #tpu.memory_space<hbm>>
      tpu.enqueue_dma source(%dma_start3A_698 : memref<64xf32, #tpu.memory_space<hbm>>) target(%dma_start3A_695 : memref<64xf32, #tpu.memory_space<hbm>>) target_semaphore(%arg5 : memref<!tpu.dma_semaphore, #tpu.memory_space<semaphore_mem>>)
      %get3A_699 = arith.constant 51 : i32
      %get3A_700 = arith.index_cast %get3A_699 : i32 to index
      %get3A_701 = memref.load %arg4[%get3A_700] : memref<64xi32, #tpu.memory_space<smem>>
      %get3A_702 = arith.constant 50 : i32
      %get3A_703 = arith.index_cast %get3A_702 : i32 to index
      %get3A_704 = memref.load %arg4[%get3A_703] : memref<64xi32, #tpu.memory_space<smem>>
      %sub3A_705 = arith.subi %get3A_701, %get3A_704 : i32
      %dma_start3A_706 = arith.constant 50 : i32
      %dma_start3A_707 = arith.constant 0 : i32
      %dma_start3A_708 = tpu.memref_slice %arg3[%dma_start3A_706, %dma_start3A_707] : memref<63x64xf32, #tpu.memory_space<hbm>> -> memref<1x64xf32, #tpu.memory_space<hbm>>
      %dma_start3A_709 = tpu.memref_squeeze %dma_start3A_708 : memref<1x64xf32, #tpu.memory_space<hbm>> -> memref<64xf32, #tpu.memory_space<hbm>>
      %dma_start3A_710 = arith.constant 0 : i32
      %dma_start3A_711 = tpu.memref_slice %arg2[%sub3A_705, %dma_start3A_710] : memref<1000x64xf32, #tpu.memory_space<hbm>> -> memref<1x64xf32, #tpu.memory_space<hbm>>
      %dma_start3A_712 = tpu.memref_squeeze %dma_start3A_711 : memref<1x64xf32, #tpu.memory_space<hbm>> -> memref<64xf32, #tpu.memory_space<hbm>>
      tpu.enqueue_dma source(%dma_start3A_712 : memref<64xf32, #tpu.memory_space<hbm>>) target(%dma_start3A_709 : memref<64xf32, #tpu.memory_space<hbm>>) target_semaphore(%arg5 : memref<!tpu.dma_semaphore, #tpu.memory_space<semaphore_mem>>)
      %get3A_713 = arith.constant 52 : i32
      %get3A_714 = arith.index_cast %get3A_713 : i32 to index
      %get3A_715 = memref.load %arg4[%get3A_714] : memref<64xi32, #tpu.memory_space<smem>>
      %get3A_716 = arith.constant 51 : i32
      %get3A_717 = arith.index_cast %get3A_716 : i32 to index
      %get3A_718 = memref.load %arg4[%get3A_717] : memref<64xi32, #tpu.memory_space<smem>>
      %sub3A_719 = arith.subi %get3A_715, %get3A_718 : i32
      %dma_start3A_720 = arith.constant 51 : i32
      %dma_start3A_721 = arith.constant 0 : i32
      %dma_start3A_722 = tpu.memref_slice %arg3[%dma_start3A_720, %dma_start3A_721] : memref<63x64xf32, #tpu.memory_space<hbm>> -> memref<1x64xf32, #tpu.memory_space<hbm>>
      %dma_start3A_723 = tpu.memref_squeeze %dma_start3A_722 : memref<1x64xf32, #tpu.memory_space<hbm>> -> memref<64xf32, #tpu.memory_space<hbm>>
      %dma_start3A_724 = arith.constant 0 : i32
      %dma_start3A_725 = tpu.memref_slice %arg2[%sub3A_719, %dma_start3A_724] : memref<1000x64xf32, #tpu.memory_space<hbm>> -> memref<1x64xf32, #tpu.memory_space<hbm>>
      %dma_start3A_726 = tpu.memref_squeeze %dma_start3A_725 : memref<1x64xf32, #tpu.memory_space<hbm>> -> memref<64xf32, #tpu.memory_space<hbm>>
      tpu.enqueue_dma source(%dma_start3A_726 : memref<64xf32, #tpu.memory_space<hbm>>) target(%dma_start3A_723 : memref<64xf32, #tpu.memory_space<hbm>>) target_semaphore(%arg5 : memref<!tpu.dma_semaphore, #tpu.memory_space<semaphore_mem>>)
      %get3A_727 = arith.constant 53 : i32
      %get3A_728 = arith.index_cast %get3A_727 : i32 to index
      %get3A_729 = memref.load %arg4[%get3A_728] : memref<64xi32, #tpu.memory_space<smem>>
      %get3A_730 = arith.constant 52 : i32
      %get3A_731 = arith.index_cast %get3A_730 : i32 to index
      %get3A_732 = memref.load %arg4[%get3A_731] : memref<64xi32, #tpu.memory_space<smem>>
      %sub3A_733 = arith.subi %get3A_729, %get3A_732 : i32
      %dma_start3A_734 = arith.constant 52 : i32
      %dma_start3A_735 = arith.constant 0 : i32
      %dma_start3A_736 = tpu.memref_slice %arg3[%dma_start3A_734, %dma_start3A_735] : memref<63x64xf32, #tpu.memory_space<hbm>> -> memref<1x64xf32, #tpu.memory_space<hbm>>
      %dma_start3A_737 = tpu.memref_squeeze %dma_start3A_736 : memref<1x64xf32, #tpu.memory_space<hbm>> -> memref<64xf32, #tpu.memory_space<hbm>>
      %dma_start3A_738 = arith.constant 0 : i32
      %dma_start3A_739 = tpu.memref_slice %arg2[%sub3A_733, %dma_start3A_738] : memref<1000x64xf32, #tpu.memory_space<hbm>> -> memref<1x64xf32, #tpu.memory_space<hbm>>
      %dma_start3A_740 = tpu.memref_squeeze %dma_start3A_739 : memref<1x64xf32, #tpu.memory_space<hbm>> -> memref<64xf32, #tpu.memory_space<hbm>>
      tpu.enqueue_dma source(%dma_start3A_740 : memref<64xf32, #tpu.memory_space<hbm>>) target(%dma_start3A_737 : memref<64xf32, #tpu.memory_space<hbm>>) target_semaphore(%arg5 : memref<!tpu.dma_semaphore, #tpu.memory_space<semaphore_mem>>)
      %get3A_741 = arith.constant 54 : i32
      %get3A_742 = arith.index_cast %get3A_741 : i32 to index
      %get3A_743 = memref.load %arg4[%get3A_742] : memref<64xi32, #tpu.memory_space<smem>>
      %get3A_744 = arith.constant 53 : i32
      %get3A_745 = arith.index_cast %get3A_744 : i32 to index
      %get3A_746 = memref.load %arg4[%get3A_745] : memref<64xi32, #tpu.memory_space<smem>>
      %sub3A_747 = arith.subi %get3A_743, %get3A_746 : i32
      %dma_start3A_748 = arith.constant 53 : i32
      %dma_start3A_749 = arith.constant 0 : i32
      %dma_start3A_750 = tpu.memref_slice %arg3[%dma_start3A_748, %dma_start3A_749] : memref<63x64xf32, #tpu.memory_space<hbm>> -> memref<1x64xf32, #tpu.memory_space<hbm>>
      %dma_start3A_751 = tpu.memref_squeeze %dma_start3A_750 : memref<1x64xf32, #tpu.memory_space<hbm>> -> memref<64xf32, #tpu.memory_space<hbm>>
      %dma_start3A_752 = arith.constant 0 : i32
      %dma_start3A_753 = tpu.memref_slice %arg2[%sub3A_747, %dma_start3A_752] : memref<1000x64xf32, #tpu.memory_space<hbm>> -> memref<1x64xf32, #tpu.memory_space<hbm>>
      %dma_start3A_754 = tpu.memref_squeeze %dma_start3A_753 : memref<1x64xf32, #tpu.memory_space<hbm>> -> memref<64xf32, #tpu.memory_space<hbm>>
      tpu.enqueue_dma source(%dma_start3A_754 : memref<64xf32, #tpu.memory_space<hbm>>) target(%dma_start3A_751 : memref<64xf32, #tpu.memory_space<hbm>>) target_semaphore(%arg5 : memref<!tpu.dma_semaphore, #tpu.memory_space<semaphore_mem>>)
      %get3A_755 = arith.constant 55 : i32
      %get3A_756 = arith.index_cast %get3A_755 : i32 to index
      %get3A_757 = memref.load %arg4[%get3A_756] : memref<64xi32, #tpu.memory_space<smem>>
      %get3A_758 = arith.constant 54 : i32
      %get3A_759 = arith.index_cast %get3A_758 : i32 to index
      %get3A_760 = memref.load %arg4[%get3A_759] : memref<64xi32, #tpu.memory_space<smem>>
      %sub3A_761 = arith.subi %get3A_757, %get3A_760 : i32
      %dma_start3A_762 = arith.constant 54 : i32
      %dma_start3A_763 = arith.constant 0 : i32
      %dma_start3A_764 = tpu.memref_slice %arg3[%dma_start3A_762, %dma_start3A_763] : memref<63x64xf32, #tpu.memory_space<hbm>> -> memref<1x64xf32, #tpu.memory_space<hbm>>
      %dma_start3A_765 = tpu.memref_squeeze %dma_start3A_764 : memref<1x64xf32, #tpu.memory_space<hbm>> -> memref<64xf32, #tpu.memory_space<hbm>>
      %dma_start3A_766 = arith.constant 0 : i32
      %dma_start3A_767 = tpu.memref_slice %arg2[%sub3A_761, %dma_start3A_766] : memref<1000x64xf32, #tpu.memory_space<hbm>> -> memref<1x64xf32, #tpu.memory_space<hbm>>
      %dma_start3A_768 = tpu.memref_squeeze %dma_start3A_767 : memref<1x64xf32, #tpu.memory_space<hbm>> -> memref<64xf32, #tpu.memory_space<hbm>>
      tpu.enqueue_dma source(%dma_start3A_768 : memref<64xf32, #tpu.memory_space<hbm>>) target(%dma_start3A_765 : memref<64xf32, #tpu.memory_space<hbm>>) target_semaphore(%arg5 : memref<!tpu.dma_semaphore, #tpu.memory_space<semaphore_mem>>)
      %get3A_769 = arith.constant 56 : i32
      %get3A_770 = arith.index_cast %get3A_769 : i32 to index
      %get3A_771 = memref.load %arg4[%get3A_770] : memref<64xi32, #tpu.memory_space<smem>>
      %get3A_772 = arith.constant 55 : i32
      %get3A_773 = arith.index_cast %get3A_772 : i32 to index
      %get3A_774 = memref.load %arg4[%get3A_773] : memref<64xi32, #tpu.memory_space<smem>>
      %sub3A_775 = arith.subi %get3A_771, %get3A_774 : i32
      %dma_start3A_776 = arith.constant 55 : i32
      %dma_start3A_777 = arith.constant 0 : i32
      %dma_start3A_778 = tpu.memref_slice %arg3[%dma_start3A_776, %dma_start3A_777] : memref<63x64xf32, #tpu.memory_space<hbm>> -> memref<1x64xf32, #tpu.memory_space<hbm>>
      %dma_start3A_779 = tpu.memref_squeeze %dma_start3A_778 : memref<1x64xf32, #tpu.memory_space<hbm>> -> memref<64xf32, #tpu.memory_space<hbm>>
      %dma_start3A_780 = arith.constant 0 : i32
      %dma_start3A_781 = tpu.memref_slice %arg2[%sub3A_775, %dma_start3A_780] : memref<1000x64xf32, #tpu.memory_space<hbm>> -> memref<1x64xf32, #tpu.memory_space<hbm>>
      %dma_start3A_782 = tpu.memref_squeeze %dma_start3A_781 : memref<1x64xf32, #tpu.memory_space<hbm>> -> memref<64xf32, #tpu.memory_space<hbm>>
      tpu.enqueue_dma source(%dma_start3A_782 : memref<64xf32, #tpu.memory_space<hbm>>) target(%dma_start3A_779 : memref<64xf32, #tpu.memory_space<hbm>>) target_semaphore(%arg5 : memref<!tpu.dma_semaphore, #tpu.memory_space<semaphore_mem>>)
      %get3A_783 = arith.constant 57 : i32
      %get3A_784 = arith.index_cast %get3A_783 : i32 to index
      %get3A_785 = memref.load %arg4[%get3A_784] : memref<64xi32, #tpu.memory_space<smem>>
      %get3A_786 = arith.constant 56 : i32
      %get3A_787 = arith.index_cast %get3A_786 : i32 to index
      %get3A_788 = memref.load %arg4[%get3A_787] : memref<64xi32, #tpu.memory_space<smem>>
      %sub3A_789 = arith.subi %get3A_785, %get3A_788 : i32
      %dma_start3A_790 = arith.constant 56 : i32
      %dma_start3A_791 = arith.constant 0 : i32
      %dma_start3A_792 = tpu.memref_slice %arg3[%dma_start3A_790, %dma_start3A_791] : memref<63x64xf32, #tpu.memory_space<hbm>> -> memref<1x64xf32, #tpu.memory_space<hbm>>
      %dma_start3A_793 = tpu.memref_squeeze %dma_start3A_792 : memref<1x64xf32, #tpu.memory_space<hbm>> -> memref<64xf32, #tpu.memory_space<hbm>>
      %dma_start3A_794 = arith.constant 0 : i32
      %dma_start3A_795 = tpu.memref_slice %arg2[%sub3A_789, %dma_start3A_794] : memref<1000x64xf32, #tpu.memory_space<hbm>> -> memref<1x64xf32, #tpu.memory_space<hbm>>
      %dma_start3A_796 = tpu.memref_squeeze %dma_start3A_795 : memref<1x64xf32, #tpu.memory_space<hbm>> -> memref<64xf32, #tpu.memory_space<hbm>>
      tpu.enqueue_dma source(%dma_start3A_796 : memref<64xf32, #tpu.memory_space<hbm>>) target(%dma_start3A_793 : memref<64xf32, #tpu.memory_space<hbm>>) target_semaphore(%arg5 : memref<!tpu.dma_semaphore, #tpu.memory_space<semaphore_mem>>)
      %get3A_797 = arith.constant 58 : i32
      %get3A_798 = arith.index_cast %get3A_797 : i32 to index
      %get3A_799 = memref.load %arg4[%get3A_798] : memref<64xi32, #tpu.memory_space<smem>>
      %get3A_800 = arith.constant 57 : i32
      %get3A_801 = arith.index_cast %get3A_800 : i32 to index
      %get3A_802 = memref.load %arg4[%get3A_801] : memref<64xi32, #tpu.memory_space<smem>>
      %sub3A_803 = arith.subi %get3A_799, %get3A_802 : i32
      %dma_start3A_804 = arith.constant 57 : i32
      %dma_start3A_805 = arith.constant 0 : i32
      %dma_start3A_806 = tpu.memref_slice %arg3[%dma_start3A_804, %dma_start3A_805] : memref<63x64xf32, #tpu.memory_space<hbm>> -> memref<1x64xf32, #tpu.memory_space<hbm>>
      %dma_start3A_807 = tpu.memref_squeeze %dma_start3A_806 : memref<1x64xf32, #tpu.memory_space<hbm>> -> memref<64xf32, #tpu.memory_space<hbm>>
      %dma_start3A_808 = arith.constant 0 : i32
      %dma_start3A_809 = tpu.memref_slice %arg2[%sub3A_803, %dma_start3A_808] : memref<1000x64xf32, #tpu.memory_space<hbm>> -> memref<1x64xf32, #tpu.memory_space<hbm>>
      %dma_start3A_810 = tpu.memref_squeeze %dma_start3A_809 : memref<1x64xf32, #tpu.memory_space<hbm>> -> memref<64xf32, #tpu.memory_space<hbm>>
      tpu.enqueue_dma source(%dma_start3A_810 : memref<64xf32, #tpu.memory_space<hbm>>) target(%dma_start3A_807 : memref<64xf32, #tpu.memory_space<hbm>>) target_semaphore(%arg5 : memref<!tpu.dma_semaphore, #tpu.memory_space<semaphore_mem>>)
      %get3A_811 = arith.constant 59 : i32
      %get3A_812 = arith.index_cast %get3A_811 : i32 to index
      %get3A_813 = memref.load %arg4[%get3A_812] : memref<64xi32, #tpu.memory_space<smem>>
      %get3A_814 = arith.constant 58 : i32
      %get3A_815 = arith.index_cast %get3A_814 : i32 to index
      %get3A_816 = memref.load %arg4[%get3A_815] : memref<64xi32, #tpu.memory_space<smem>>
      %sub3A_817 = arith.subi %get3A_813, %get3A_816 : i32
      %dma_start3A_818 = arith.constant 58 : i32
      %dma_start3A_819 = arith.constant 0 : i32
      %dma_start3A_820 = tpu.memref_slice %arg3[%dma_start3A_818, %dma_start3A_819] : memref<63x64xf32, #tpu.memory_space<hbm>> -> memref<1x64xf32, #tpu.memory_space<hbm>>
      %dma_start3A_821 = tpu.memref_squeeze %dma_start3A_820 : memref<1x64xf32, #tpu.memory_space<hbm>> -> memref<64xf32, #tpu.memory_space<hbm>>
      %dma_start3A_822 = arith.constant 0 : i32
      %dma_start3A_823 = tpu.memref_slice %arg2[%sub3A_817, %dma_start3A_822] : memref<1000x64xf32, #tpu.memory_space<hbm>> -> memref<1x64xf32, #tpu.memory_space<hbm>>
      %dma_start3A_824 = tpu.memref_squeeze %dma_start3A_823 : memref<1x64xf32, #tpu.memory_space<hbm>> -> memref<64xf32, #tpu.memory_space<hbm>>
      tpu.enqueue_dma source(%dma_start3A_824 : memref<64xf32, #tpu.memory_space<hbm>>) target(%dma_start3A_821 : memref<64xf32, #tpu.memory_space<hbm>>) target_semaphore(%arg5 : memref<!tpu.dma_semaphore, #tpu.memory_space<semaphore_mem>>)
      %get3A_825 = arith.constant 60 : i32
      %get3A_826 = arith.index_cast %get3A_825 : i32 to index
      %get3A_827 = memref.load %arg4[%get3A_826] : memref<64xi32, #tpu.memory_space<smem>>
      %get3A_828 = arith.constant 59 : i32
      %get3A_829 = arith.index_cast %get3A_828 : i32 to index
      %get3A_830 = memref.load %arg4[%get3A_829] : memref<64xi32, #tpu.memory_space<smem>>
      %sub3A_831 = arith.subi %get3A_827, %get3A_830 : i32
      %dma_start3A_832 = arith.constant 59 : i32
      %dma_start3A_833 = arith.constant 0 : i32
      %dma_start3A_834 = tpu.memref_slice %arg3[%dma_start3A_832, %dma_start3A_833] : memref<63x64xf32, #tpu.memory_space<hbm>> -> memref<1x64xf32, #tpu.memory_space<hbm>>
      %dma_start3A_835 = tpu.memref_squeeze %dma_start3A_834 : memref<1x64xf32, #tpu.memory_space<hbm>> -> memref<64xf32, #tpu.memory_space<hbm>>
      %dma_start3A_836 = arith.constant 0 : i32
      %dma_start3A_837 = tpu.memref_slice %arg2[%sub3A_831, %dma_start3A_836] : memref<1000x64xf32, #tpu.memory_space<hbm>> -> memref<1x64xf32, #tpu.memory_space<hbm>>
      %dma_start3A_838 = tpu.memref_squeeze %dma_start3A_837 : memref<1x64xf32, #tpu.memory_space<hbm>> -> memref<64xf32, #tpu.memory_space<hbm>>
      tpu.enqueue_dma source(%dma_start3A_838 : memref<64xf32, #tpu.memory_space<hbm>>) target(%dma_start3A_835 : memref<64xf32, #tpu.memory_space<hbm>>) target_semaphore(%arg5 : memref<!tpu.dma_semaphore, #tpu.memory_space<semaphore_mem>>)
      %get3A_839 = arith.constant 61 : i32
      %get3A_840 = arith.index_cast %get3A_839 : i32 to index
      %get3A_841 = memref.load %arg4[%get3A_840] : memref<64xi32, #tpu.memory_space<smem>>
      %get3A_842 = arith.constant 60 : i32
      %get3A_843 = arith.index_cast %get3A_842 : i32 to index
      %get3A_844 = memref.load %arg4[%get3A_843] : memref<64xi32, #tpu.memory_space<smem>>
      %sub3A_845 = arith.subi %get3A_841, %get3A_844 : i32
      %dma_start3A_846 = arith.constant 60 : i32
      %dma_start3A_847 = arith.constant 0 : i32
      %dma_start3A_848 = tpu.memref_slice %arg3[%dma_start3A_846, %dma_start3A_847] : memref<63x64xf32, #tpu.memory_space<hbm>> -> memref<1x64xf32, #tpu.memory_space<hbm>>
      %dma_start3A_849 = tpu.memref_squeeze %dma_start3A_848 : memref<1x64xf32, #tpu.memory_space<hbm>> -> memref<64xf32, #tpu.memory_space<hbm>>
      %dma_start3A_850 = arith.constant 0 : i32
      %dma_start3A_851 = tpu.memref_slice %arg2[%sub3A_845, %dma_start3A_850] : memref<1000x64xf32, #tpu.memory_space<hbm>> -> memref<1x64xf32, #tpu.memory_space<hbm>>
      %dma_start3A_852 = tpu.memref_squeeze %dma_start3A_851 : memref<1x64xf32, #tpu.memory_space<hbm>> -> memref<64xf32, #tpu.memory_space<hbm>>
      tpu.enqueue_dma source(%dma_start3A_852 : memref<64xf32, #tpu.memory_space<hbm>>) target(%dma_start3A_849 : memref<64xf32, #tpu.memory_space<hbm>>) target_semaphore(%arg5 : memref<!tpu.dma_semaphore, #tpu.memory_space<semaphore_mem>>)
      %get3A_853 = arith.constant 62 : i32
      %get3A_854 = arith.index_cast %get3A_853 : i32 to index
      %get3A_855 = memref.load %arg4[%get3A_854] : memref<64xi32, #tpu.memory_space<smem>>
      %get3A_856 = arith.constant 61 : i32
      %get3A_857 = arith.index_cast %get3A_856 : i32 to index
      %get3A_858 = memref.load %arg4[%get3A_857] : memref<64xi32, #tpu.memory_space<smem>>
      %sub3A_859 = arith.subi %get3A_855, %get3A_858 : i32
      %dma_start3A_860 = arith.constant 61 : i32
      %dma_start3A_861 = arith.constant 0 : i32
      %dma_start3A_862 = tpu.memref_slice %arg3[%dma_start3A_860, %dma_start3A_861] : memref<63x64xf32, #tpu.memory_space<hbm>> -> memref<1x64xf32, #tpu.memory_space<hbm>>
      %dma_start3A_863 = tpu.memref_squeeze %dma_start3A_862 : memref<1x64xf32, #tpu.memory_space<hbm>> -> memref<64xf32, #tpu.memory_space<hbm>>
      %dma_start3A_864 = arith.constant 0 : i32
      %dma_start3A_865 = tpu.memref_slice %arg2[%sub3A_859, %dma_start3A_864] : memref<1000x64xf32, #tpu.memory_space<hbm>> -> memref<1x64xf32, #tpu.memory_space<hbm>>
      %dma_start3A_866 = tpu.memref_squeeze %dma_start3A_865 : memref<1x64xf32, #tpu.memory_space<hbm>> -> memref<64xf32, #tpu.memory_space<hbm>>
      tpu.enqueue_dma source(%dma_start3A_866 : memref<64xf32, #tpu.memory_space<hbm>>) target(%dma_start3A_863 : memref<64xf32, #tpu.memory_space<hbm>>) target_semaphore(%arg5 : memref<!tpu.dma_semaphore, #tpu.memory_space<semaphore_mem>>)
      %get3A_867 = arith.constant 63 : i32
      %get3A_868 = arith.index_cast %get3A_867 : i32 to index
      %get3A_869 = memref.load %arg4[%get3A_868] : memref<64xi32, #tpu.memory_space<smem>>
      %get3A_870 = arith.constant 62 : i32
      %get3A_871 = arith.index_cast %get3A_870 : i32 to index
      %get3A_872 = memref.load %arg4[%get3A_871] : memref<64xi32, #tpu.memory_space<smem>>
      %sub3A_873 = arith.subi %get3A_869, %get3A_872 : i32
      %dma_start3A_874 = arith.constant 62 : i32
      %dma_start3A_875 = arith.constant 0 : i32
      %dma_start3A_876 = tpu.memref_slice %arg3[%dma_start3A_874, %dma_start3A_875] : memref<63x64xf32, #tpu.memory_space<hbm>> -> memref<1x64xf32, #tpu.memory_space<hbm>>
      %dma_start3A_877 = tpu.memref_squeeze %dma_start3A_876 : memref<1x64xf32, #tpu.memory_space<hbm>> -> memref<64xf32, #tpu.memory_space<hbm>>
      %dma_start3A_878 = arith.constant 0 : i32
      %dma_start3A_879 = tpu.memref_slice %arg2[%sub3A_873, %dma_start3A_878] : memref<1000x64xf32, #tpu.memory_space<hbm>> -> memref<1x64xf32, #tpu.memory_space<hbm>>
      %dma_start3A_880 = tpu.memref_squeeze %dma_start3A_879 : memref<1x64xf32, #tpu.memory_space<hbm>> -> memref<64xf32, #tpu.memory_space<hbm>>
      tpu.enqueue_dma source(%dma_start3A_880 : memref<64xf32, #tpu.memory_space<hbm>>) target(%dma_start3A_877 : memref<64xf32, #tpu.memory_space<hbm>>) target_semaphore(%arg5 : memref<!tpu.dma_semaphore, #tpu.memory_space<semaphore_mem>>)
      %dma_wait3A = arith.constant 0 : i32
      %dma_wait3A_881 = arith.constant 0 : i32
      %dma_wait3A_882 = tpu.memref_slice %arg2[%dma_wait3A, %dma_wait3A_881] : memref<1000x64xf32, #tpu.memory_space<hbm>> -> memref<63x64xf32, #tpu.memory_space<hbm>>
      tpu.wait_dma2 semaphore(%arg5 : memref<!tpu.dma_semaphore, #tpu.memory_space<semaphore_mem>>) src(%dma_wait3A_882 : memref<63x64xf32, #tpu.memory_space<hbm>>) dst(%arg3 : memref<63x64xf32, #tpu.memory_space<hbm>>)
    } else {
    }
    return
  }
}

</mosaic_0001>

<sc_bundles>
// kernel: kernel.3.cloned.1.call-start
scs
__scs_entry_jumppad:
0x0: {  	(pc) =	sbr.rel $0x88, $3  }
0x1: {  	(tag) =	ssettag $0x0;
	lr =	simm.s32 $0x1  }
0x2: {  	[smem:$0x3F9F] =	sst lr;
	_ =	strace $0xD0000000  }
0x3: {  	_ = 	snop  }
0x4: {  	_ = 	snop  }
0x5: {  	_ = 	snop  }
0x6: {  	_ = 	snop  }
0x7: {  	_ = 	snop  }
__scs_overlays_trampoline_lowered:
0x8: {  	[smem:$0x3FAE] =	sst s0  }
0x9: {  	[smem:$0x3FAF] =	sst s1  }
0xa: {  	[smem:$0x3FB0] =	sst s2  }
0xb: {  	[smem:$0x3FB1] =	sst s3  }
0xc: {  	[smem:$0x3FB2] =	sst s4  }
0xd: {  	[smem:$0x3FB3] =	sst s5  }
0xe: {  	[smem:$0x3FB4] =	sst s6  }
0xf: {  	[smem:$0x3FB5] =	sst s7  }
0x10: {  	[smem:$0x3FB6] =	sst s8  }
0x11: {  	[smem:$0x3FB7] =	sst s9;
	s0 =	simm.s32 @!p0 $0x0  }
0x12: {  	s1 =	sld [smem:$0x3F9D];
	s0 =	simm.s32 @p0 $0x1  }
0x13: {  	[smem:$0x3FB8] =	sst s0;
	s0 =	simm.s32 @!p1 $0x0  }
0x14: {  	s2 =	sld [smem:$0x3F9C];
	s0 =	simm.s32 @p1 $0x1  }
0x15: {  	[smem:$0x3FB9] =	sst s0;
	s0 =	simm.s32 @!p2 $0x0  }
0x16: {  	s3 =	sld [smem:$0x3FDB];
	s0 =	simm.s32 @p2 $0x1  }
0x17: {  	s4 =	simm.s32 $0x1BF5;
	[smem:$0x3FBB] =	sst s0  }
0x18: {  	s0 =	sld [smem:$0x3F9E];
	_ =	swait.ge [sflag:s4], $0x0  }
0x19: {  	s7 =	sld [smem:$0x3F9F]  }
0x1a: {  	s8 =	sadd.s32 $0xFFFFE003, lr  }
0x1b: {  	s9 =	sadd.s32 $0xFFFFFEF7, lr;
	s5 =	simm.s32 $0xFFFFFFFF;
	p2 =	slt.u32 s8, $0xFFFFF086  }
0x1c: {  	p1 =	slt.u32 s9, $0xF7A;
	s5 =	simm.s32 @!p2 $0x0  }
0x1d: {  	s5 =	simm.s32 @p1 $0x1;
	p0 =	seq.s32 s7, s2  }
0x1e: {  	s7 =	smul.u32 @!p0 $0xF7A, s2;
	p2 =	seq.s32 @!p0 s5, $0x0  }
0x1f: {  	s9 =	smul.u32 $0xF7A, s1;
	s8 =	simm.s32 @!p0 $0x1BF5;
	p2 =	por !p2, p0  }
0x20: {  	[sflag:s8] =	ssyncset.s32 @!p0 $0xFFFFF086;
	s6 =	sadd.s32 @!p0 s3, s7;
	s7 =	simm.s32 @!p0 $0x108  }
0x21: {  	s3 =	sadd.s32 s3, s9;
	s6 =	sadd.s32 @!p0 $0x88, s6;
	s7 =	simm.s32 @p2 $0x1082  }
0x22: {  	[simem:s7], [sflag:s8] =	dma.local @!p0 [hbm:s6], $0xF7A  }
0x23: {  	s9 =	sor.u32 $0xD0000000, s2;
	s6 =	simm.s32 $0x108;
	_ =	swait.ge @!p0 [sflag:s8], $0x0  }
0x24: {  	s3 =	sadd.s32 $0x88, s3;
	s6 =	simm.s32 @!p1 $0x1082;
	[sflag:s4] =	ssyncset.s32 $0xFFFFF086  }
0x25: {  	[simem:s6], [sflag:s4] =	dma.local [hbm:s3], $0xF7A  }
0x26: {  	[smem:$0x3F9F] =	sst s1;
	(tag) =	ssettag s2;
	_ =	strace s9  }
0x27: {  	s1 =	sld [smem:$0x3FAF]  }
0x28: {  	s2 =	sld [smem:$0x3FB0]  }
0x29: {  	s4 =	sld [smem:$0x3FB2]  }
0x2a: {  	p0 =	seq.s32 s5, $0x0;
	s5 =	sld [smem:$0x3FB3]  }
0x2b: {  	s6 =	sld [smem:$0x3FB4]  }
0x2c: {  	s7 =	sld [smem:$0x3FB5]  }
0x2d: {  	s3 =	simm.s32 $0x108;
	s8 =	sld [smem:$0x3FB6]  }
0x2e: {  	s3 =	simm.s32 @!p0 $0x1082;
	s9 =	sld [smem:$0x3FB7]  }
0x2f: {  	lr =	sadd.s32 s0, s3;
	s0 =	sld [smem:$0x3FAE]  }
0x30: {  	s3 =	sld [smem:$0x3FB1]  }
0x31: {  	[smem:$0x3FBA] =	sst s10  }
0x32: {  	s10 =	sld [smem:$0x3FB8];
	_ =	sdelay $0x3  }
0x33: {  	p0 =	seq.s32 s10, $0x1;
	s10 =	sld [smem:$0x3FBA];
	_ =	sdelay $0x3  }
0x34: {  	[smem:$0x3FBA] =	sst s10  }
0x35: {  	s10 =	sld [smem:$0x3FB9];
	_ =	sdelay $0x3  }
0x36: {  	p1 =	seq.s32 s10, $0x1;
	s10 =	sld [smem:$0x3FBA];
	_ =	sdelay $0x3  }
0x37: {  	[smem:$0x3FBA] =	sst s10  }
0x38: {  	s10 =	sld [smem:$0x3FBB]  }
0x39: {  	_ = 	snop;
	(pc) =	sbr.ind lr, $3  }
0x3a: {  	_ = 	snop  }
0x3b: {  	_ = 	snop  }
0x3c: {  	p2 =	seq.s32 s10, $0x1;
	s10 =	sld [smem:$0x3FBA]  }
0x3d: {  	_ =	shalt  }
0x3e: {  	_ =	shalt  }
0x3f: {  	_ =	shalt  }
0x40: {  	_ =	shalt  }
0x41: {  	_ =	shalt  }
0x42: {  	_ =	shalt  }
0x43: {  	_ =	shalt  }
0x44: {  	_ =	shalt  }
0x45: {  	_ =	shalt  }
0x46: {  	_ =	shalt  }
0x47: {  	_ =	shalt  }
0x48: {  	_ =	shalt  }
0x49: {  	_ =	shalt  }
0x4a: {  	_ =	shalt  }
0x4b: {  	_ =	shalt  }
0x4c: {  	_ =	shalt  }
0x4d: {  	_ =	shalt  }
0x4e: {  	_ =	shalt  }
0x4f: {  	_ =	shalt  }
0x50: {  	_ =	shalt  }
0x51: {  	_ =	shalt  }
0x52: {  	_ =	shalt  }
0x53: {  	_ =	shalt  }
0x54: {  	_ =	shalt  }
0x55: {  	_ =	shalt  }
0x56: {  	_ =	shalt  }
0x57: {  	_ =	shalt  }
0x58: {  	_ =	shalt  }
0x59: {  	_ =	shalt  }
0x5a: {  	_ =	shalt  }
0x5b: {  	_ =	shalt  }
0x5c: {  	_ =	shalt  }
0x5d: {  	_ =	shalt  }
0x5e: {  	_ =	shalt  }
0x5f: {  	_ =	shalt  }
0x60: {  	_ =	shalt  }
0x61: {  	_ =	shalt  }
0x62: {  	_ =	shalt  }
0x63: {  	_ =	shalt  }
0x64: {  	_ =	shalt  }
0x65: {  	_ =	shalt  }
0x66: {  	_ =	shalt  }
0x67: {  	_ =	shalt  }
0x68: {  	_ =	shalt  }
0x69: {  	_ =	shalt  }
0x6a: {  	_ =	shalt  }
0x6b: {  	_ =	shalt  }
0x6c: {  	_ =	shalt  }
0x6d: {  	_ =	shalt  }
0x6e: {  	_ =	shalt  }
0x6f: {  	_ =	shalt  }
0x70: {  	_ =	shalt  }
0x71: {  	_ =	shalt  }
0x72: {  	_ =	shalt  }
0x73: {  	_ =	shalt  }
0x74: {  	_ =	shalt  }
0x75: {  	_ =	shalt  }
0x76: {  	_ =	shalt  }
0x77: {  	_ =	shalt  }
0x78: {  	_ =	shalt  }
0x79: {  	_ =	shalt  }
0x7a: {  	_ =	shalt  }
0x7b: {  	_ =	shalt  }
0x7c: {  	_ =	shalt  }
0x7d: {  	_ =	shalt  }
0x7e: {  	_ =	shalt  }
0x7f: {  	_ =	shalt  }
0x80: {  	_ =	shalt  }
0x81: {  	_ =	shalt  }
0x82: {  	_ =	shalt  }
0x83: {  	_ =	shalt  }
0x84: {  	_ =	shalt  }
0x85: {  	_ =	shalt  }
0x86: {  	_ =	shalt  }
0x87: {  	_ =	shalt  }
.Lfunc_end0:
.L_simem_size_0:
called_computation_lowered:
.L_overlay_start_0:
0x88: {  	s0 =	sld [smem:$0x3FD9]  }
0x89: {  	s1 =	sld [smem:$0x3FFE];
	_ =	sdelay $0x3  }
0x8a: {  	s0 =	sadd.s32 s1, s0  }
0x8b: {  	s9 =	simm.s32 $0x0;
	[smem:$0x3FC6] =	sst s0  }
0x8c: {  	[smem:$0xF] =	sst s9  }
0x8d: {  	s8 =	sld [smem:$0x3FC9];
	(tm) =	ssettm $0x1  }
0x8e: {  	s10 =	sld [smem:$0x3FFB];
	_ =	sdelay $0x3  }
0x8f: {  	_ =	strace s10  }
0x90: {  	s0 =	sld [smem:$0x3FFC];
	_ =	sdelay $0x3  }
0x91: {  	_ =	strace s0  }
0x92: {  	s0 =	sld [smem:$0x3FFD];
	_ =	sdelay $0x3  }
0x93: {  	_ =	strace s0  }
0x94: {  	s11 =	simm.s32 $0x1B8B;
	_ =	strace $0x8FFFFFFF  }
0x95: {  	_ =	swait.ge [sflag:s11], $0x1  }
0x96: {  	[sflag:s11] =	ssyncset.done $0x0  }
0x97: {  	s2 =	simm.s32 $0x1B8E;
	[sflag:s11] =	ssyncadd.s32 $0xFFFFFFFF  }
0x98: {  	s12 =	simm.s32 $0xA;
	[smem:$0x3FD2] =	sst s2  }
0x99: {  	s3 =	simm.s32 $0x10;
	s0 =	sld [smem:$0x3FFE];
	_ =	strace $0x80000046  }
0x9a: {  	[smem:s3], [sflag:s12] =	dma.local [hbm:s8], $0x8  }
0x9b: {  	_ =	swait.ge [sflag:s12], $0x8  }
0x9c: {  	[sflag:s12] =	ssyncset.done $0x0  }
0x9d: {  	[sflag:s12] =	ssyncadd.s32 $0xFFFFFFF8  }
0x9e: {  	s13 =	sld [smem:$0x11]  }
0x9f: {  	s14 =	sld [smem:$0x10];
	_ =	sdelay $0x3  }
0xa0: {  	s1 =	ssub.s32 s13, s14  }
0xa1: {  	s15 =	sshll.u32 s1, $0x3  }
0xa2: {  	s1 =	sadd.s32 $0x400, s0;
	s2 =	sand.u32 $0x1FFFFFF8, s15  }
0xa3: {  	s4 =	sadd.s32 $0x2400, s0;
	s5 =	sadd.s32 s1, s2;
	s2 =	simm.s32 $0x9  }
0xa4: {  	[hbm:s4], [sflag:s2] =	dma.local [hbm:s5], $0x8  }
0xa5: {  	s4 =	sld [smem:$0x12];
	_ =	sdelay $0x3  }
0xa6: {  	s3 =	ssub.s32 s4, s13  }
0xa7: {  	s3 =	sshll.u32 s3, $0x3  }
0xa8: {  	s3 =	sand.u32 $0x1FFFFFF8, s3  }
0xa9: {  	s16 =	sadd.s32 $0x2408, s0;
	s3 =	sadd.s32 s1, s3  }
0xaa: {  	[hbm:s16], [sflag:s2] =	dma.local [hbm:s3], $0x8  }
0xab: {  	s3 =	sld [smem:$0x13];
	_ =	sdelay $0x3  }
0xac: {  	s4 =	ssub.s32 s3, s4  }
0xad: {  	s4 =	sshll.u32 s4, $0x3  }
0xae: {  	s4 =	sand.u32 $0x1FFFFFF8, s4  }
0xaf: {  	s17 =	sadd.s32 $0x2410, s0;
	s4 =	sadd.s32 s1, s4  }
0xb0: {  	[hbm:s17], [sflag:s2] =	dma.local [hbm:s4], $0x8  }
0xb1: {  	s4 =	sld [smem:$0x14];
	_ =	sdelay $0x3  }
0xb2: {  	s3 =	ssub.s32 s4, s3  }
0xb3: {  	s3 =	sshll.u32 s3, $0x3  }
0xb4: {  	s3 =	sand.u32 $0x1FFFFFF8, s3  }
0xb5: {  	s18 =	sadd.s32 $0x2418, s0;
	s3 =	sadd.s32 s1, s3  }
0xb6: {  	[hbm:s18], [sflag:s2] =	dma.local [hbm:s3], $0x8  }
0xb7: {  	s3 =	sld [smem:$0x15];
	_ =	sdelay $0x3  }
0xb8: {  	s4 =	ssub.s32 s3, s4  }
0xb9: {  	s4 =	sshll.u32 s4, $0x3  }
0xba: {  	s4 =	sand.u32 $0x1FFFFFF8, s4  }
0xbb: {  	s19 =	sadd.s32 $0x2420, s0;
	s4 =	sadd.s32 s1, s4  }
0xbc: {  	[hbm:s19], [sflag:s2] =	dma.local [hbm:s4], $0x8  }
0xbd: {  	s4 =	sld [smem:$0x16];
	_ =	sdelay $0x3  }
0xbe: {  	s3 =	ssub.s32 s4, s3  }
0xbf: {  	s3 =	sshll.u32 s3, $0x3  }
0xc0: {  	s3 =	sand.u32 $0x1FFFFFF8, s3  }
0xc1: {  	s20 =	sadd.s32 $0x2428, s0;
	s3 =	sadd.s32 s1, s3  }
0xc2: {  	[hbm:s20], [sflag:s2] =	dma.local [hbm:s3], $0x8  }
0xc3: {  	s3 =	sld [smem:$0x17];
	_ =	sdelay $0x3  }
0xc4: {  	s4 =	ssub.s32 s3, s4  }
0xc5: {  	s4 =	sshll.u32 s4, $0x3  }
0xc6: {  	s4 =	sand.u32 $0x1FFFFFF8, s4  }
0xc7: {  	s21 =	sadd.s32 $0x2430, s0;
	s4 =	sadd.s32 s1, s4  }
0xc8: {  	[hbm:s21], [sflag:s2] =	dma.local [hbm:s4], $0x8  }
0xc9: {  	s4 =	sld [smem:$0x18];
	_ =	sdelay $0x3  }
0xca: {  	s3 =	ssub.s32 s4, s3  }
0xcb: {  	s3 =	sshll.u32 s3, $0x3  }
0xcc: {  	s3 =	sand.u32 $0x1FFFFFF8, s3  }
0xcd: {  	s22 =	sadd.s32 $0x2438, s0;
	s3 =	sadd.s32 s1, s3  }
0xce: {  	[hbm:s22], [sflag:s2] =	dma.local [hbm:s3], $0x8  }
0xcf: {  	s3 =	sld [smem:$0x19];
	_ =	sdelay $0x3  }
0xd0: {  	s4 =	ssub.s32 s3, s4  }
0xd1: {  	s4 =	sshll.u32 s4, $0x3  }
0xd2: {  	s4 =	sand.u32 $0x1FFFFFF8, s4  }
0xd3: {  	s23 =	sadd.s32 $0x2440, s0;
	s4 =	sadd.s32 s1, s4  }
0xd4: {  	[hbm:s23], [sflag:s2] =	dma.local [hbm:s4], $0x8  }
0xd5: {  	s4 =	sld [smem:$0x1A];
	_ =	sdelay $0x3  }
0xd6: {  	s3 =	ssub.s32 s4, s3  }
0xd7: {  	s3 =	sshll.u32 s3, $0x3  }
0xd8: {  	s3 =	sand.u32 $0x1FFFFFF8, s3  }
0xd9: {  	s24 =	sadd.s32 $0x2448, s0;
	s3 =	sadd.s32 s1, s3  }
0xda: {  	[hbm:s24], [sflag:s2] =	dma.local [hbm:s3], $0x8  }
0xdb: {  	s3 =	sld [smem:$0x1B];
	_ =	sdelay $0x3  }
0xdc: {  	s4 =	ssub.s32 s3, s4  }
0xdd: {  	s4 =	sshll.u32 s4, $0x3  }
0xde: {  	s4 =	sand.u32 $0x1FFFFFF8, s4  }
0xdf: {  	s25 =	sadd.s32 $0x2450, s0;
	s4 =	sadd.s32 s1, s4  }
0xe0: {  	[hbm:s25], [sflag:s2] =	dma.local [hbm:s4], $0x8  }
0xe1: {  	s4 =	sld [smem:$0x1C];
	_ =	sdelay $0x3  }
0xe2: {  	s3 =	ssub.s32 s4, s3  }
0xe3: {  	s3 =	sshll.u32 s3, $0x3  }
0xe4: {  	s3 =	sand.u32 $0x1FFFFFF8, s3  }
0xe5: {  	s26 =	sadd.s32 $0x2458, s0;
	s3 =	sadd.s32 s1, s3  }
0xe6: {  	[hbm:s26], [sflag:s2] =	dma.local [hbm:s3], $0x8  }
0xe7: {  	s3 =	sld [smem:$0x1D];
	_ =	sdelay $0x3  }
0xe8: {  	s4 =	ssub.s32 s3, s4  }
0xe9: {  	s4 =	sshll.u32 s4, $0x3  }
0xea: {  	s4 =	sand.u32 $0x1FFFFFF8, s4  }
0xeb: {  	s28 =	sadd.s32 $0x2460, s0;
	s4 =	sadd.s32 s1, s4  }
0xec: {  	[hbm:s28], [sflag:s2] =	dma.local [hbm:s4], $0x8  }
0xed: {  	s4 =	sld [smem:$0x1E];
	_ =	sdelay $0x3  }
0xee: {  	s3 =	ssub.s32 s4, s3  }
0xef: {  	s3 =	sshll.u32 s3, $0x3  }
0xf0: {  	s3 =	sand.u32 $0x1FFFFFF8, s3  }
0xf1: {  	s29 =	sadd.s32 $0x2468, s0;
	s3 =	sadd.s32 s1, s3  }
0xf2: {  	[hbm:s29], [sflag:s2] =	dma.local [hbm:s3], $0x8  }
0xf3: {  	s3 =	sld [smem:$0x1F];
	_ =	sdelay $0x3  }
0xf4: {  	s4 =	ssub.s32 s3, s4  }
0xf5: {  	s4 =	sshll.u32 s4, $0x3  }
0xf6: {  	s4 =	sand.u32 $0x1FFFFFF8, s4  }
0xf7: {  	s30 =	sadd.s32 $0x2470, s0;
	s4 =	sadd.s32 s1, s4  }
0xf8: {  	[hbm:s30], [sflag:s2] =	dma.local [hbm:s4], $0x8  }
0xf9: {  	s4 =	sld [smem:$0x20];
	_ =	sdelay $0x3  }
0xfa: {  	s3 =	ssub.s32 s4, s3  }
0xfb: {  	s3 =	sshll.u32 s3, $0x3  }
0xfc: {  	s3 =	sand.u32 $0x1FFFFFF8, s3  }
0xfd: {  	s31 =	sadd.s32 $0x2478, s0;
	s3 =	sadd.s32 s1, s3  }
0xfe: {  	[hbm:s31], [sflag:s2] =	dma.local [hbm:s3], $0x8  }
0xff: {  	s3 =	sld [smem:$0x21];
	_ =	sdelay $0x3  }
0x100: {  	s4 =	ssub.s32 s3, s4  }
0x101: {  	s4 =	sshll.u32 s4, $0x3  }
0x102: {  	s4 =	sand.u32 $0x1FFFFFF8, s4  }
0x103: {  	s6 =	sadd.s32 $0x2480, s0;
	s4 =	sadd.s32 s1, s4  }
0x104: {  	[hbm:s6], [sflag:s2] =	dma.local [hbm:s4], $0x8  }
0x105: {  	s4 =	sld [smem:$0x22];
	_ =	sdelay $0x3  }
0x106: {  	s3 =	ssub.s32 s4, s3  }
0x107: {  	s3 =	sshll.u32 s3, $0x3  }
0x108: {  	s3 =	sand.u32 $0x1FFFFFF8, s3  }
0x109: {  	s7 =	sadd.s32 $0x2488, s0;
	s3 =	sadd.s32 s1, s3  }
0x10a: {  	[hbm:s7], [sflag:s2] =	dma.local [hbm:s3], $0x8  }
0x10b: {  	s3 =	sld [smem:$0x23];
	_ =	sdelay $0x3  }
0x10c: {  	s4 =	ssub.s32 s3, s4  }
0x10d: {  	s4 =	sshll.u32 s4, $0x3  }
0x10e: {  	s4 =	sand.u32 $0x1FFFFFF8, s4  }
0x10f: {  	s8 =	sadd.s32 $0x2490, s0;
	s4 =	sadd.s32 s1, s4  }
0x110: {  	[hbm:s8], [sflag:s2] =	dma.local [hbm:s4], $0x8  }
0x111: {  	s4 =	sld [smem:$0x24];
	_ =	sdelay $0x3  }
0x112: {  	s3 =	ssub.s32 s4, s3  }
0x113: {  	s3 =	sshll.u32 s3, $0x3  }
0x114: {  	s3 =	sand.u32 $0x1FFFFFF8, s3  }
0x115: {  	s9 =	sadd.s32 $0x2498, s0;
	s3 =	sadd.s32 s1, s3  }
0x116: {  	[hbm:s9], [sflag:s2] =	dma.local [hbm:s3], $0x8  }
0x117: {  	s3 =	sld [smem:$0x25];
	_ =	sdelay $0x3  }
0x118: {  	s4 =	ssub.s32 s3, s4  }
0x119: {  	s4 =	sshll.u32 s4, $0x3  }
0x11a: {  	s4 =	sand.u32 $0x1FFFFFF8, s4  }
0x11b: {  	s10 =	sadd.s32 $0x24A0, s0;
	s4 =	sadd.s32 s1, s4  }
0x11c: {  	[hbm:s10], [sflag:s2] =	dma.local [hbm:s4], $0x8  }
0x11d: {  	s4 =	sld [smem:$0x26];
	_ =	sdelay $0x3  }
0x11e: {  	s3 =	ssub.s32 s4, s3  }
0x11f: {  	s3 =	sshll.u32 s3, $0x3  }
0x120: {  	s3 =	sand.u32 $0x1FFFFFF8, s3  }
0x121: {  	s11 =	sadd.s32 $0x24A8, s0;
	s3 =	sadd.s32 s1, s3  }
0x122: {  	[hbm:s11], [sflag:s2] =	dma.local [hbm:s3], $0x8  }
0x123: {  	s3 =	sld [smem:$0x27];
	_ =	sdelay $0x3  }
0x124: {  	s4 =	ssub.s32 s3, s4  }
0x125: {  	s4 =	sshll.u32 s4, $0x3  }
0x126: {  	s4 =	sand.u32 $0x1FFFFFF8, s4  }
0x127: {  	s12 =	sadd.s32 $0x24B0, s0;
	s4 =	sadd.s32 s1, s4  }
0x128: {  	[hbm:s12], [sflag:s2] =	dma.local [hbm:s4], $0x8  }
0x129: {  	s4 =	sld [smem:$0x28];
	_ =	sdelay $0x3  }
0x12a: {  	s3 =	ssub.s32 s4, s3  }
0x12b: {  	s3 =	sshll.u32 s3, $0x3  }
0x12c: {  	s3 =	sand.u32 $0x1FFFFFF8, s3  }
0x12d: {  	s13 =	sadd.s32 $0x24B8, s0;
	s3 =	sadd.s32 s1, s3  }
0x12e: {  	[hbm:s13], [sflag:s2] =	dma.local [hbm:s3], $0x8  }
0x12f: {  	s3 =	sld [smem:$0x29];
	_ =	sdelay $0x3  }
0x130: {  	s4 =	ssub.s32 s3, s4  }
0x131: {  	s4 =	sshll.u32 s4, $0x3  }
0x132: {  	s4 =	sand.u32 $0x1FFFFFF8, s4  }
0x133: {  	s14 =	sadd.s32 $0x24C0, s0;
	s4 =	sadd.s32 s1, s4  }
0x134: {  	[hbm:s14], [sflag:s2] =	dma.local [hbm:s4], $0x8  }
0x135: {  	s4 =	sld [smem:$0x2A];
	_ =	sdelay $0x3  }
0x136: {  	s3 =	ssub.s32 s4, s3  }
0x137: {  	s3 =	sshll.u32 s3, $0x3  }
0x138: {  	s3 =	sand.u32 $0x1FFFFFF8, s3  }
0x139: {  	s15 =	sadd.s32 $0x24C8, s0;
	s3 =	sadd.s32 s1, s3  }
0x13a: {  	[hbm:s15], [sflag:s2] =	dma.local [hbm:s3], $0x8  }
0x13b: {  	s3 =	sld [smem:$0x2B];
	_ =	sdelay $0x3  }
0x13c: {  	s4 =	ssub.s32 s3, s4  }
0x13d: {  	s4 =	sshll.u32 s4, $0x3  }
0x13e: {  	s4 =	sand.u32 $0x1FFFFFF8, s4  }
0x13f: {  	s16 =	sadd.s32 $0x24D0, s0;
	s4 =	sadd.s32 s1, s4  }
0x140: {  	[hbm:s16], [sflag:s2] =	dma.local [hbm:s4], $0x8  }
0x141: {  	s4 =	sld [smem:$0x2C];
	_ =	sdelay $0x3  }
0x142: {  	s3 =	ssub.s32 s4, s3  }
0x143: {  	s3 =	sshll.u32 s3, $0x3  }
0x144: {  	s3 =	sand.u32 $0x1FFFFFF8, s3  }
0x145: {  	s17 =	sadd.s32 $0x24D8, s0;
	s3 =	sadd.s32 s1, s3  }
0x146: {  	[hbm:s17], [sflag:s2] =	dma.local [hbm:s3], $0x8  }
0x147: {  	s3 =	sld [smem:$0x2D];
	_ =	sdelay $0x3  }
0x148: {  	s4 =	ssub.s32 s3, s4  }
0x149: {  	s4 =	sshll.u32 s4, $0x3  }
0x14a: {  	s4 =	sand.u32 $0x1FFFFFF8, s4  }
0x14b: {  	s18 =	sadd.s32 $0x24E0, s0;
	s4 =	sadd.s32 s1, s4  }
0x14c: {  	[hbm:s18], [sflag:s2] =	dma.local [hbm:s4], $0x8  }
0x14d: {  	s4 =	sld [smem:$0x2E];
	_ =	sdelay $0x3  }
0x14e: {  	s3 =	ssub.s32 s4, s3  }
0x14f: {  	s3 =	sshll.u32 s3, $0x3  }
0x150: {  	s3 =	sand.u32 $0x1FFFFFF8, s3  }
0x151: {  	s19 =	sadd.s32 $0x24E8, s0;
	s3 =	sadd.s32 s1, s3  }
0x152: {  	[hbm:s19], [sflag:s2] =	dma.local [hbm:s3], $0x8  }
0x153: {  	s3 =	sld [smem:$0x2F];
	_ =	sdelay $0x3  }
0x154: {  	s4 =	ssub.s32 s3, s4  }
0x155: {  	s4 =	sshll.u32 s4, $0x3  }
0x156: {  	s4 =	sand.u32 $0x1FFFFFF8, s4  }
0x157: {  	s20 =	sadd.s32 $0x24F0, s0;
	s4 =	sadd.s32 s1, s4  }
0x158: {  	[hbm:s20], [sflag:s2] =	dma.local [hbm:s4], $0x8  }
0x159: {  	s4 =	sld [smem:$0x30];
	_ =	sdelay $0x3  }
0x15a: {  	s3 =	ssub.s32 s4, s3  }
0x15b: {  	s3 =	sshll.u32 s3, $0x3  }
0x15c: {  	s3 =	sand.u32 $0x1FFFFFF8, s3  }
0x15d: {  	s21 =	sadd.s32 $0x24F8, s0;
	s3 =	sadd.s32 s1, s3  }
0x15e: {  	[hbm:s21], [sflag:s2] =	dma.local [hbm:s3], $0x8  }
0x15f: {  	s3 =	sld [smem:$0x31];
	_ =	sdelay $0x3  }
0x160: {  	s4 =	ssub.s32 s3, s4  }
0x161: {  	s4 =	sshll.u32 s4, $0x3  }
0x162: {  	s4 =	sand.u32 $0x1FFFFFF8, s4  }
0x163: {  	s22 =	sadd.s32 $0x2500, s0;
	s4 =	sadd.s32 s1, s4  }
0x164: {  	[hbm:s22], [sflag:s2] =	dma.local [hbm:s4], $0x8  }
0x165: {  	s4 =	sld [smem:$0x32];
	_ =	sdelay $0x3  }
0x166: {  	s3 =	ssub.s32 s4, s3  }
0x167: {  	s3 =	sshll.u32 s3, $0x3  }
0x168: {  	s3 =	sand.u32 $0x1FFFFFF8, s3  }
0x169: {  	s23 =	sadd.s32 $0x2508, s0;
	s3 =	sadd.s32 s1, s3  }
0x16a: {  	[hbm:s23], [sflag:s2] =	dma.local [hbm:s3], $0x8  }
0x16b: {  	s3 =	sld [smem:$0x33];
	_ =	sdelay $0x3  }
0x16c: {  	s4 =	ssub.s32 s3, s4  }
0x16d: {  	s4 =	sshll.u32 s4, $0x3  }
0x16e: {  	s4 =	sand.u32 $0x1FFFFFF8, s4  }
0x16f: {  	s24 =	sadd.s32 $0x2510, s0;
	s4 =	sadd.s32 s1, s4  }
0x170: {  	[hbm:s24], [sflag:s2] =	dma.local [hbm:s4], $0x8  }
0x171: {  	s4 =	sld [smem:$0x34];
	_ =	sdelay $0x3  }
0x172: {  	s3 =	ssub.s32 s4, s3  }
0x173: {  	s3 =	sshll.u32 s3, $0x3  }
0x174: {  	s3 =	sand.u32 $0x1FFFFFF8, s3  }
0x175: {  	s25 =	sadd.s32 $0x2518, s0;
	s3 =	sadd.s32 s1, s3  }
0x176: {  	[hbm:s25], [sflag:s2] =	dma.local [hbm:s3], $0x8  }
0x177: {  	s3 =	sld [smem:$0x35];
	_ =	sdelay $0x3  }
0x178: {  	s4 =	ssub.s32 s3, s4  }
0x179: {  	s4 =	sshll.u32 s4, $0x3  }
0x17a: {  	s4 =	sand.u32 $0x1FFFFFF8, s4  }
0x17b: {  	s26 =	sadd.s32 $0x2520, s0;
	s4 =	sadd.s32 s1, s4  }
0x17c: {  	[hbm:s26], [sflag:s2] =	dma.local [hbm:s4], $0x8  }
0x17d: {  	s4 =	sld [smem:$0x36];
	_ =	sdelay $0x3  }
0x17e: {  	s3 =	ssub.s32 s4, s3  }
0x17f: {  	s3 =	sshll.u32 s3, $0x3  }
0x180: {  	s3 =	sand.u32 $0x1FFFFFF8, s3  }
0x181: {  	s28 =	sadd.s32 $0x2528, s0;
	s3 =	sadd.s32 s1, s3  }
0x182: {  	[hbm:s28], [sflag:s2] =	dma.local [hbm:s3], $0x8  }
0x183: {  	s3 =	sld [smem:$0x37];
	_ =	sdelay $0x3  }
0x184: {  	s4 =	ssub.s32 s3, s4  }
0x185: {  	s4 =	sshll.u32 s4, $0x3  }
0x186: {  	s4 =	sand.u32 $0x1FFFFFF8, s4  }
0x187: {  	s29 =	sadd.s32 $0x2530, s0;
	s4 =	sadd.s32 s1, s4  }
0x188: {  	[hbm:s29], [sflag:s2] =	dma.local [hbm:s4], $0x8  }
0x189: {  	s4 =	sld [smem:$0x38];
	_ =	sdelay $0x3  }
0x18a: {  	s3 =	ssub.s32 s4, s3  }
0x18b: {  	s3 =	sshll.u32 s3, $0x3  }
0x18c: {  	s3 =	sand.u32 $0x1FFFFFF8, s3  }
0x18d: {  	s30 =	sadd.s32 $0x2538, s0;
	s3 =	sadd.s32 s1, s3  }
0x18e: {  	[hbm:s30], [sflag:s2] =	dma.local [hbm:s3], $0x8  }
0x18f: {  	s3 =	sld [smem:$0x39];
	_ =	sdelay $0x3  }
0x190: {  	s4 =	ssub.s32 s3, s4  }
0x191: {  	s4 =	sshll.u32 s4, $0x3  }
0x192: {  	s4 =	sand.u32 $0x1FFFFFF8, s4  }
0x193: {  	s31 =	sadd.s32 $0x2540, s0;
	s4 =	sadd.s32 s1, s4  }
0x194: {  	[hbm:s31], [sflag:s2] =	dma.local [hbm:s4], $0x8  }
0x195: {  	s4 =	sld [smem:$0x3A];
	_ =	sdelay $0x3  }
0x196: {  	s3 =	ssub.s32 s4, s3  }
0x197: {  	s3 =	sshll.u32 s3, $0x3  }
0x198: {  	s3 =	sand.u32 $0x1FFFFFF8, s3  }
0x199: {  	s6 =	sadd.s32 $0x2548, s0;
	s3 =	sadd.s32 s1, s3  }
0x19a: {  	[hbm:s6], [sflag:s2] =	dma.local [hbm:s3], $0x8  }
0x19b: {  	s3 =	sld [smem:$0x3B];
	_ =	sdelay $0x3  }
0x19c: {  	s4 =	ssub.s32 s3, s4  }
0x19d: {  	s4 =	sshll.u32 s4, $0x3  }
0x19e: {  	s4 =	sand.u32 $0x1FFFFFF8, s4  }
0x19f: {  	s7 =	sadd.s32 $0x2550, s0;
	s4 =	sadd.s32 s1, s4  }
0x1a0: {  	[hbm:s7], [sflag:s2] =	dma.local [hbm:s4], $0x8  }
0x1a1: {  	s4 =	sld [smem:$0x3C];
	_ =	sdelay $0x3  }
0x1a2: {  	s3 =	ssub.s32 s4, s3  }
0x1a3: {  	s3 =	sshll.u32 s3, $0x3  }
0x1a4: {  	s3 =	sand.u32 $0x1FFFFFF8, s3  }
0x1a5: {  	s8 =	sadd.s32 $0x2558, s0;
	s3 =	sadd.s32 s1, s3  }
0x1a6: {  	[hbm:s8], [sflag:s2] =	dma.local [hbm:s3], $0x8  }
0x1a7: {  	s3 =	sld [smem:$0x3D];
	_ =	sdelay $0x3  }
0x1a8: {  	s4 =	ssub.s32 s3, s4  }
0x1a9: {  	s4 =	sshll.u32 s4, $0x3  }
0x1aa: {  	s4 =	sand.u32 $0x1FFFFFF8, s4  }
0x1ab: {  	s9 =	sadd.s32 $0x2560, s0;
	s4 =	sadd.s32 s1, s4  }
0x1ac: {  	[hbm:s9], [sflag:s2] =	dma.local [hbm:s4], $0x8  }
0x1ad: {  	s4 =	sld [smem:$0x3E];
	_ =	sdelay $0x3  }
0x1ae: {  	s3 =	ssub.s32 s4, s3  }
0x1af: {  	s3 =	sshll.u32 s3, $0x3  }
0x1b0: {  	s3 =	sand.u32 $0x1FFFFFF8, s3  }
0x1b1: {  	s10 =	sadd.s32 $0x2568, s0;
	s3 =	sadd.s32 s1, s3  }
0x1b2: {  	[hbm:s10], [sflag:s2] =	dma.local [hbm:s3], $0x8  }
0x1b3: {  	s3 =	sld [smem:$0x3F];
	_ =	sdelay $0x3  }
0x1b4: {  	s4 =	ssub.s32 s3, s4  }
0x1b5: {  	s4 =	sshll.u32 s4, $0x3  }
0x1b6: {  	s4 =	sand.u32 $0x1FFFFFF8, s4  }
0x1b7: {  	s11 =	sadd.s32 $0x2570, s0;
	s4 =	sadd.s32 s1, s4  }
0x1b8: {  	[hbm:s11], [sflag:s2] =	dma.local [hbm:s4], $0x8  }
0x1b9: {  	s4 =	sld [smem:$0x40];
	_ =	sdelay $0x3  }
0x1ba: {  	s3 =	ssub.s32 s4, s3  }
0x1bb: {  	s3 =	sshll.u32 s3, $0x3  }
0x1bc: {  	s3 =	sand.u32 $0x1FFFFFF8, s3  }
0x1bd: {  	s12 =	sadd.s32 $0x2578, s0;
	s3 =	sadd.s32 s1, s3  }
0x1be: {  	[hbm:s12], [sflag:s2] =	dma.local [hbm:s3], $0x8  }
0x1bf: {  	s3 =	sld [smem:$0x41];
	_ =	sdelay $0x3  }
0x1c0: {  	s4 =	ssub.s32 s3, s4  }
0x1c1: {  	s4 =	sshll.u32 s4, $0x3  }
0x1c2: {  	s4 =	sand.u32 $0x1FFFFFF8, s4  }
0x1c3: {  	s13 =	sadd.s32 $0x2580, s0;
	s4 =	sadd.s32 s1, s4  }
0x1c4: {  	[hbm:s13], [sflag:s2] =	dma.local [hbm:s4], $0x8  }
0x1c5: {  	s4 =	sld [smem:$0x42];
	_ =	sdelay $0x3  }
0x1c6: {  	s3 =	ssub.s32 s4, s3  }
0x1c7: {  	s3 =	sshll.u32 s3, $0x3  }
0x1c8: {  	s3 =	sand.u32 $0x1FFFFFF8, s3  }
0x1c9: {  	s14 =	sadd.s32 $0x2588, s0;
	s3 =	sadd.s32 s1, s3  }
0x1ca: {  	[hbm:s14], [sflag:s2] =	dma.local [hbm:s3], $0x8  }
0x1cb: {  	s3 =	sld [smem:$0x43];
	_ =	sdelay $0x3  }
0x1cc: {  	s4 =	ssub.s32 s3, s4  }
0x1cd: {  	s4 =	sshll.u32 s4, $0x3  }
0x1ce: {  	s4 =	sand.u32 $0x1FFFFFF8, s4  }
0x1cf: {  	s15 =	sadd.s32 $0x2590, s0;
	s4 =	sadd.s32 s1, s4  }
0x1d0: {  	[hbm:s15], [sflag:s2] =	dma.local [hbm:s4], $0x8  }
0x1d1: {  	s4 =	sld [smem:$0x44];
	_ =	sdelay $0x3  }
0x1d2: {  	s3 =	ssub.s32 s4, s3  }
0x1d3: {  	s3 =	sshll.u32 s3, $0x3  }
0x1d4: {  	s3 =	sand.u32 $0x1FFFFFF8, s3  }
0x1d5: {  	s16 =	sadd.s32 $0x2598, s0;
	s3 =	sadd.s32 s1, s3  }
0x1d6: {  	[hbm:s16], [sflag:s2] =	dma.local [hbm:s3], $0x8  }
0x1d7: {  	s3 =	sld [smem:$0x45];
	_ =	sdelay $0x3  }
0x1d8: {  	s4 =	ssub.s32 s3, s4  }
0x1d9: {  	s4 =	sshll.u32 s4, $0x3  }
0x1da: {  	s4 =	sand.u32 $0x1FFFFFF8, s4  }
0x1db: {  	s17 =	sadd.s32 $0x25A0, s0;
	s4 =	sadd.s32 s1, s4  }
0x1dc: {  	[hbm:s17], [sflag:s2] =	dma.local [hbm:s4], $0x8  }
0x1dd: {  	s4 =	sld [smem:$0x46];
	_ =	sdelay $0x3  }
0x1de: {  	s3 =	ssub.s32 s4, s3  }
0x1df: {  	s3 =	sshll.u32 s3, $0x3  }
0x1e0: {  	s3 =	sand.u32 $0x1FFFFFF8, s3  }
0x1e1: {  	s18 =	sadd.s32 $0x25A8, s0;
	s3 =	sadd.s32 s1, s3  }
0x1e2: {  	[hbm:s18], [sflag:s2] =	dma.local [hbm:s3], $0x8  }
0x1e3: {  	s3 =	sld [smem:$0x47];
	_ =	sdelay $0x3  }
0x1e4: {  	s4 =	ssub.s32 s3, s4  }
0x1e5: {  	s4 =	sshll.u32 s4, $0x3  }
0x1e6: {  	s4 =	sand.u32 $0x1FFFFFF8, s4  }
0x1e7: {  	s19 =	sadd.s32 $0x25B0, s0;
	s4 =	sadd.s32 s1, s4  }
0x1e8: {  	[hbm:s19], [sflag:s2] =	dma.local [hbm:s4], $0x8  }
0x1e9: {  	s4 =	sld [smem:$0x48];
	_ =	sdelay $0x3  }
0x1ea: {  	s3 =	ssub.s32 s4, s3  }
0x1eb: {  	s3 =	sshll.u32 s3, $0x3  }
0x1ec: {  	s3 =	sand.u32 $0x1FFFFFF8, s3  }
0x1ed: {  	s20 =	sadd.s32 $0x25B8, s0;
	s3 =	sadd.s32 s1, s3  }
0x1ee: {  	[hbm:s20], [sflag:s2] =	dma.local [hbm:s3], $0x8  }
0x1ef: {  	s3 =	sld [smem:$0x49];
	_ =	sdelay $0x3  }
0x1f0: {  	s4 =	ssub.s32 s3, s4  }
0x1f1: {  	s4 =	sshll.u32 s4, $0x3  }
0x1f2: {  	s4 =	sand.u32 $0x1FFFFFF8, s4  }
0x1f3: {  	s21 =	sadd.s32 $0x25C0, s0;
	s4 =	sadd.s32 s1, s4  }
0x1f4: {  	[hbm:s21], [sflag:s2] =	dma.local [hbm:s4], $0x8  }
0x1f5: {  	s4 =	sld [smem:$0x4A];
	_ =	sdelay $0x3  }
0x1f6: {  	s3 =	ssub.s32 s4, s3  }
0x1f7: {  	s3 =	sshll.u32 s3, $0x3  }
0x1f8: {  	s3 =	sand.u32 $0x1FFFFFF8, s3  }
0x1f9: {  	s22 =	sadd.s32 $0x25C8, s0;
	s3 =	sadd.s32 s1, s3  }
0x1fa: {  	[hbm:s22], [sflag:s2] =	dma.local [hbm:s3], $0x8  }
0x1fb: {  	s3 =	sld [smem:$0x4B];
	_ =	sdelay $0x3  }
0x1fc: {  	s4 =	ssub.s32 s3, s4  }
0x1fd: {  	s4 =	sshll.u32 s4, $0x3  }
0x1fe: {  	s4 =	sand.u32 $0x1FFFFFF8, s4  }
0x1ff: {  	s23 =	sadd.s32 $0x25D0, s0;
	s4 =	sadd.s32 s1, s4  }
0x200: {  	[hbm:s23], [sflag:s2] =	dma.local [hbm:s4], $0x8  }
0x201: {  	s4 =	sld [smem:$0x4C];
	_ =	sdelay $0x3  }
0x202: {  	s3 =	ssub.s32 s4, s3  }
0x203: {  	s3 =	sshll.u32 s3, $0x3  }
0x204: {  	s3 =	sand.u32 $0x1FFFFFF8, s3  }
0x205: {  	s24 =	sadd.s32 $0x25D8, s0;
	s3 =	sadd.s32 s1, s3  }
0x206: {  	[hbm:s24], [sflag:s2] =	dma.local [hbm:s3], $0x8  }
0x207: {  	s3 =	sld [smem:$0x4D];
	_ =	sdelay $0x3  }
0x208: {  	s4 =	ssub.s32 s3, s4  }
0x209: {  	s4 =	sshll.u32 s4, $0x3  }
0x20a: {  	s4 =	sand.u32 $0x1FFFFFF8, s4  }
0x20b: {  	s25 =	sadd.s32 $0x25E0, s0;
	s4 =	sadd.s32 s1, s4  }
0x20c: {  	[hbm:s25], [sflag:s2] =	dma.local [hbm:s4], $0x8  }
0x20d: {  	s4 =	sld [smem:$0x4E];
	_ =	sdelay $0x3  }
0x20e: {  	s3 =	ssub.s32 s4, s3  }
0x20f: {  	s3 =	sshll.u32 s3, $0x3  }
0x210: {  	s3 =	sand.u32 $0x1FFFFFF8, s3  }
0x211: {  	s26 =	sadd.s32 $0x25E8, s0;
	s3 =	sadd.s32 s1, s3  }
0x212: {  	[hbm:s26], [sflag:s2] =	dma.local [hbm:s3], $0x8  }
0x213: {  	s3 =	sld [smem:$0x4F];
	_ =	sdelay $0x3  }
0x214: {  	s3 =	ssub.s32 s3, s4  }
0x215: {  	s3 =	sshll.u32 s3, $0x3  }
0x216: {  	s3 =	sand.u32 $0x1FFFFFF8, s3  }
0x217: {  	s0 =	sadd.s32 $0x25F0, s0;
	s1 =	sadd.s32 s1, s3  }
0x218: {  	[hbm:s0], [sflag:s2] =	dma.local [hbm:s1], $0x8  }
0x219: {  	_ =	swait.ge [sflag:s2], $0x1F8  }
0x21a: {  	[sflag:s2] =	ssyncset.done $0x0  }
0x21b: {  	[sflag:s2] =	ssyncadd.s32 $0xFFFFFE08  }
0x21c: {  	_ =	strace $0x90000046  }
0x21d: {  	_ =	sfence  }
0x21e: {  	s28 =	sld [smem:$0x0];
	_ =	sdelay $0x1  }
0x21f: {  	s29 =	srdreg.scid  }
0x220: {  	s30 =	sshll.u32 s29, $0xD;
	s31 =	sshrl.u32 s29, $0x2  }
0x221: {  	s1 =	sand.u32 $0x1, s29;
	s2 =	sand.u32 $0x4000, s30;
	s0 =	sadd.s32 s31, s28  }
0x222: {  	s1 =	sor.u32 s2, s1;
	s0 =	sshll.u32 s0, $0x11  }
0x223: {  	s0 =	sor.u32 s0, s1  }
0x224: {  	s0 =	sadd.s32 $0x8F2B, s0;
	(pc) =	sbr.abs _section_cstart, $3  }
0x225: {  	[sflag:s0] =	ssyncadd.remote.s32 $0x1  }
0x226: {  	_ =	strace $0x9FFFFFFF  }
0x227: {  	(tm) =	ssettm $0x7FFFFFFF  }

</sc_bundles>
